<compile_context>
chip_gen: v7x
topology: tpu7x:2x2x1
jax: 0.10.2.dev20260603
libtpu: 0.0.44.dev20260713+nightly
codegen_flags: <defaults>
</compile_context>

<pallas_src>
import functools

import jax
import jax.numpy as jnp
from jax import lax
from jax.experimental import pallas as pl
from jax.experimental.pallas import tpu as pltpu
from jax.experimental.pallas import tpu_sc as plsc

N_NODES = 10000
NUM_USERS = 4000
D = 128
E = 320000
N_LAYERS = 3

NC = 2
NS = 16
NW = NC * NS
CH = 128
NCHK = 79
E_PAD = NW * NCHK * CH
NPAD = 10240
PAD_NODE = NPAD - 1
ROWS_PER_TILE = NPAD // NS

_mesh = plsc.VectorSubcoreMesh(core_axis_name="c", subcore_axis_name="s")


@functools.partial(
    pl.kernel,
    out_type=jax.ShapeDtypeStruct((NC * NPAD, D), jnp.float32),
    mesh=_mesh,
    scratch_types=[
        pltpu.VMEM((2, NCHK, CH), jnp.int32),
        pltpu.VMEM((CH, D), jnp.float32),
        pltpu.VMEM_SHARED((NPAD, D), jnp.float32),
    ],
)
def _sc_degrees(idx_hbm, ones_hbm, zD_hbm,
                deg_out,
                idx_v, ones_v, hist_sp):
    c = lax.axis_index("c").astype(jnp.int32)
    s = lax.axis_index("s").astype(jnp.int32)
    row0 = s * jnp.int32(ROWS_PER_TILE)
    pltpu.sync_copy(zD_hbm.at[pl.ds(row0, ROWS_PER_TILE)],
                    hist_sp.at[pl.ds(row0, ROWS_PER_TILE)])
    pltpu.sync_copy(ones_hbm, ones_v)
    pltpu.sync_copy(idx_hbm.at[c, pl.ds(s * jnp.int32(2), 2)], idx_v)
    plsc.subcore_barrier()

    @pl.loop(jnp.int32(0), jnp.int32(NCHK), step=jnp.int32(1))
    def _chunk(j):
        pltpu.sync_copy(ones_v, hist_sp.at[idx_v.at[jnp.int32(0), j]], add=True)
        pltpu.sync_copy(ones_v, hist_sp.at[idx_v.at[jnp.int32(1), j]], add=True)

    plsc.subcore_barrier()
    out0 = c * jnp.int32(NPAD) + row0
    pltpu.sync_copy(hist_sp.at[pl.ds(row0, ROWS_PER_TILE)],
                    deg_out.at[pl.ds(out0, ROWS_PER_TILE)])


@functools.partial(
    pl.kernel,
    out_type=jax.ShapeDtypeStruct((NC * NPAD, D), jnp.float32),
    mesh=_mesh,
    scratch_types=[
        pltpu.VMEM((NCHK, CH), jnp.int32),
        pltpu.VMEM((NCHK, CH), jnp.int32),
        pltpu.VMEM((CH, D), jnp.float32),
        pltpu.VMEM_SHARED((NPAD, D), jnp.float32),
        pltpu.SemaphoreType.DMA,
    ],
)
def _sc_scatter(g_hbm, src_hbm, dst_hbm, zD_hbm,
                acc_out,
                idx_s, idx_d, rows_v, acc_sp, sem):
    c = lax.axis_index("c").astype(jnp.int32)
    s = lax.axis_index("s").astype(jnp.int32)
    wid = c * jnp.int32(NS) + s
    row0 = s * jnp.int32(ROWS_PER_TILE)
    pltpu.sync_copy(zD_hbm.at[pl.ds(row0, ROWS_PER_TILE)],
                    acc_sp.at[pl.ds(row0, ROWS_PER_TILE)])
    pltpu.sync_copy(src_hbm.at[wid], idx_s)
    pltpu.sync_copy(dst_hbm.at[wid], idx_d)
    plsc.subcore_barrier()

    @pl.loop(jnp.int32(0), jnp.int32(NCHK), step=jnp.int32(1))
    def _chunk(j):
        pltpu.async_copy(g_hbm.at[idx_s.at[j]], rows_v, sem).wait()
        pltpu.sync_copy(rows_v, acc_sp.at[idx_d.at[j]], add=True)

    plsc.subcore_barrier()
    out0 = c * jnp.int32(NPAD) + row0
    pltpu.sync_copy(acc_sp.at[pl.ds(row0, ROWS_PER_TILE)],
                    acc_out.at[pl.ds(out0, ROWS_PER_TILE)])


_R = 1024


def _prep_body(x_ref, ds_ref, dd_ref, g0_ref, wn_ref, ws_ref):
    deg_s = ds_ref[:, :1]
    deg_d = dd_ref[:, :1]
    dis = jnp.where(deg_s > 0, lax.rsqrt(jnp.maximum(deg_s, 1e-12)), 0.0)
    did = jnp.where(deg_d > 0, lax.rsqrt(jnp.maximum(deg_d, 1e-12)), 0.0)
    g0_ref[...] = x_ref[...] * dis
    wn_ref[...] = jnp.broadcast_to(dis * did, (_R, D))
    ws_ref[...] = jnp.broadcast_to(did, (_R, D))


def _tc_prep(x_pad, deg):
    spec_x = pl.BlockSpec((_R, D), lambda i: (i, jnp.int32(0)))
    spec_b = pl.BlockSpec((_R, D), lambda i: (i + jnp.int32(NPAD // _R), jnp.int32(0)))
    return pl.pallas_call(
        _prep_body,
        grid=(NPAD // _R,),
        in_specs=[spec_x, spec_x, spec_b],
        out_specs=[spec_x, spec_x, spec_x],
        out_shape=[jax.ShapeDtypeStruct((NPAD, D), jnp.float32)] * 3,
    )(x_pad, deg, deg)


def _node_body(last, acca_ref, accb_ref, wn_ref, ws_ref, sum_ref,
               *out_refs):
    acc = acca_ref[...] + accb_ref[...]
    h = acc * ws_ref[...]
    if last:
        out_refs[0][...] = (sum_ref[...] + h) * 0.25
    else:
        out_refs[0][...] = acc * wn_ref[...]
        out_refs[1][...] = sum_ref[...] + h


def _tc_node(acc_part, wn, ws, sum_in, last):
    spec = pl.BlockSpec((_R, D), lambda i: (i, jnp.int32(0)))
    spec_b = pl.BlockSpec((_R, D), lambda i: (i + jnp.int32(NPAD // _R), jnp.int32(0)))
    n_out = 1 if last else 2
    return pl.pallas_call(
        functools.partial(_node_body, last),
        grid=(NPAD // _R,),
        in_specs=[spec, spec_b, spec, spec, spec],
        out_specs=[spec] * n_out,
        out_shape=[jax.ShapeDtypeStruct((NPAD, D), jnp.float32)] * n_out,
    )(acc_part, acc_part, wn, ws, sum_in)


def kernel(x, edge_index):
    src = edge_index[0].astype(jnp.int32)
    dst = edge_index[1].astype(jnp.int32)
    pad = jnp.full((E_PAD - E,), PAD_NODE, jnp.int32)
    src_blk = jnp.concatenate([src, pad]).reshape(NW, NCHK, CH)
    dst_blk = jnp.concatenate([dst, pad]).reshape(NW, NCHK, CH)
    x_pad = jnp.pad(x.astype(jnp.float32), ((0, NPAD - N_NODES), (0, 0)))
    onesD = jnp.ones((CH, D), jnp.float32)
    zD = jnp.zeros((NPAD, D), jnp.float32)

    idx_all = jnp.stack([src_blk, dst_blk])
    deg = _sc_degrees(idx_all, onesD, zD)
    g, wn, ws = _tc_prep(x_pad, deg)
    s = x_pad
    for layer in range(N_LAYERS):
        acc = _sc_scatter(g, src_blk, dst_blk, zD)
        if layer < N_LAYERS - 1:
            g, s = _tc_node(acc, wn, ws, s, last=False)
        else:
            (s,) = _tc_node(acc, wn, ws, s, last=True)
    out = s[:N_NODES]
    return out[:NUM_USERS], out[NUM_USERS:]

# --- scband reference (transcript-rebuilt; emitter-appended) ---
"""Pipeline reference for scband-kgcl-16277926052302 (READ-ONLY COPY).

The authoritative reference and input builder live on the scoring server;
editing this copy changes nothing except your own understanding.
"""

import jax
jax.config.update('jax_enable_x64', True)
import jax.numpy as jnp
import numpy as np

N_NODES = 10000
NUM_USERS = 4000
NUM_ITEMS = 6000
D = 128
E = 320000
N_LAYERS = 3


def setup_inputs(seed: int = 0) -> dict:
    key = jax.random.key(seed)
    k1, k2 = jax.random.split(key)
    # x is the concatenation of user and item embedding tables (std=0.1 init, matching nn.init.normal_)
    x = jax.random.normal(k1, (N_NODES, D), dtype=jnp.float32) * 0.1
    # edge_index holds symmetric-normalized-adjacency edges over the joint user+item node space
    edge_index = jax.random.randint(k2, (2, E), 0, N_NODES, dtype=jnp.int64)
    return {"x": x, "edge_index": edge_index}


def reference(x, edge_index):
    # LightGCN propagation as in KGCL.lightGCN / lightGCN_drop:
    #   all_emb = cat([user_emb, item_emb]); repeat: all_emb = (D^-1/2 A D^-1/2) all_emb
    #   light_out = mean over layer outputs; split into (users, items)
    src = edge_index[0]
    dst = edge_index[1]
    deg_dst = jnp.zeros((N_NODES,), dtype=jnp.float32).at[dst].add(1.0)
    deg_src = jnp.zeros((N_NODES,), dtype=jnp.float32).at[src].add(1.0)
    d_inv_dst = jnp.where(deg_dst > 0, jax.lax.rsqrt(jnp.maximum(deg_dst, 1e-12)), 0.0)
    d_inv_src = jnp.where(deg_src > 0, jax.lax.rsqrt(jnp.maximum(deg_src, 1e-12)), 0.0)
    e_norm = d_inv_src[src] * d_inv_dst[dst]  # symmetric normalization per edge
    h = x
    embs = [h]
    for _ in range(N_LAYERS):
        msg = h[src] * e_norm[:, None]                       # gather (SparseCore)
        h = jnp.zeros((N_NODES, D), dtype=jnp.float32).at[dst].add(msg)  # scatter-add
        embs.append(h)
    light_out = jnp.mean(jnp.stack(embs, axis=1), axis=1)
    users = light_out[:NUM_USERS]
    items = light_out[NUM_USERS:]
    return (users, items)

if __name__ == "__main__":
    import jax
    _d = setup_inputs()
    print(jax.jit(kernel)(*tuple(_d.values())))

</pallas_src>

<mosaic_0001>
#map = affine_map<(d0, d1) -> (0, 0, 0, 0)>
#map1 = affine_map<(d0, d1) -> (0, 0)>
module attributes {stable_mosaic.version = 14 : i64} {
  func.func @_sc_degrees(%arg0: i32, %arg1: i32, %arg2: memref<2x32x79x128xi32, #tpu.memory_space<hbm>>, %arg3: memref<128x128xf32, #tpu.memory_space<hbm>>, %arg4: memref<10240x128xf32, #tpu.memory_space<hbm>>, %arg5: memref<20480x128xf32, #tpu.memory_space<hbm>>, %arg6: memref<2x79x128xi32, #tpu.memory_space<vmem>>, %arg7: memref<128x128xf32, #tpu.memory_space<vmem>>, %arg8: memref<10240x128xf32, #tpu.memory_space<vmem_shared>>) attributes {dimension_semantics = [#tpu.dimension_semantics<core_parallel>, #tpu.dimension_semantics<subcore_parallel>], iteration_bounds = array<i64: 2, 16>, scalar_prefetch = 0 : i64, scratch_operands = 3 : i64, tpu.core_type = #tpu.core_type<sc_vector_subcore>, window_params = [{transform_indices = #map}, {transform_indices = #map1}, {transform_indices = #map1}, {transform_indices = #map1}]} {
    %mul3A = arith.constant 640 : i32
    %mul3A_0 = arith.muli %arg1, %mul3A : i32
    "tpu.region"() ({
      %run_scoped3A = tpu.sem_alloc : memref<!tpu.dma_semaphore, #tpu.memory_space<semaphore_mem>>
      %dma_start3A = arith.constant 0 : i32
      %dma_start3A_23 = tpu.memref_slice %arg8[%mul3A_0, %dma_start3A] : memref<10240x128xf32, #tpu.memory_space<vmem_shared>> -> memref<640x128xf32, #tpu.memory_space<vmem_shared>>
      %dma_start3A_24 = arith.constant 0 : i32
      %dma_start3A_25 = tpu.memref_slice %arg4[%mul3A_0, %dma_start3A_24] : memref<10240x128xf32, #tpu.memory_space<hbm>> -> memref<640x128xf32, #tpu.memory_space<hbm>>
      tpu.enqueue_dma source(%dma_start3A_25 : memref<640x128xf32, #tpu.memory_space<hbm>>) target(%dma_start3A_23 : memref<640x128xf32, #tpu.memory_space<vmem_shared>>) target_semaphore(%run_scoped3A : memref<!tpu.dma_semaphore, #tpu.memory_space<semaphore_mem>>)
      %dma_wait3A = arith.constant 0 : i32
      %dma_wait3A_26 = tpu.memref_slice %arg8[%mul3A_0, %dma_wait3A] : memref<10240x128xf32, #tpu.memory_space<vmem_shared>> -> memref<640x128xf32, #tpu.memory_space<vmem_shared>>
      %dma_wait3A_27 = arith.constant 0 : i32
      %dma_wait3A_28 = tpu.memref_slice %arg4[%mul3A_0, %dma_wait3A_27] : memref<10240x128xf32, #tpu.memory_space<hbm>> -> memref<640x128xf32, #tpu.memory_space<hbm>>
      tpu.wait_dma2 semaphore(%run_scoped3A : memref<!tpu.dma_semaphore, #tpu.memory_space<semaphore_mem>>) src(%dma_wait3A_28 : memref<640x128xf32, #tpu.memory_space<hbm>>) dst(%dma_wait3A_26 : memref<640x128xf32, #tpu.memory_space<vmem_shared>>)
      tpu.yield
    }) : () -> ()
    "tpu.region"() ({
      %run_scoped3A = tpu.sem_alloc : memref<!tpu.dma_semaphore, #tpu.memory_space<semaphore_mem>>
      tpu.enqueue_dma source(%arg3 : memref<128x128xf32, #tpu.memory_space<hbm>>) target(%arg7 : memref<128x128xf32, #tpu.memory_space<vmem>>) target_semaphore(%run_scoped3A : memref<!tpu.dma_semaphore, #tpu.memory_space<semaphore_mem>>)
      tpu.wait_dma2 semaphore(%run_scoped3A : memref<!tpu.dma_semaphore, #tpu.memory_space<semaphore_mem>>) src(%arg3 : memref<128x128xf32, #tpu.memory_space<hbm>>) dst(%arg7 : memref<128x128xf32, #tpu.memory_space<vmem>>)
      tpu.yield
    }) : () -> ()
    %mul3A_1 = arith.constant 2 : i32
    %mul3A_2 = arith.muli %arg1, %mul3A_1 : i32
    "tpu.region"() ({
      %run_scoped3A = tpu.sem_alloc : memref<!tpu.dma_semaphore, #tpu.memory_space<semaphore_mem>>
      %dma_start3A = arith.constant 0 : i32
      %dma_start3A_23 = arith.constant 0 : i32
      %dma_start3A_24 = tpu.memref_slice %arg2[%arg0, %mul3A_2, %dma_start3A, %dma_start3A_23] : memref<2x32x79x128xi32, #tpu.memory_space<hbm>> -> memref<1x2x79x128xi32, #tpu.memory_space<hbm>>
      %dma_start3A_25 = tpu.memref_squeeze %dma_start3A_24 : memref<1x2x79x128xi32, #tpu.memory_space<hbm>> -> memref<2x79x128xi32, #tpu.memory_space<hbm>>
      %dma_start3A_26 = arith.constant 0 : i32
      %dma_start3A_27 = arith.constant 0 : i32
      %dma_start3A_28 = tpu.memref_slice %arg2[%arg0, %mul3A_2, %dma_start3A_26, %dma_start3A_27] : memref<2x32x79x128xi32, #tpu.memory_space<hbm>> -> memref<1x2x79x128xi32, #tpu.memory_space<hbm>>
      %dma_start3A_29 = tpu.memref_squeeze %dma_start3A_28 : memref<1x2x79x128xi32, #tpu.memory_space<hbm>> -> memref<2x79x128xi32, #tpu.memory_space<hbm>>
      tpu.enqueue_dma source(%dma_start3A_29 : memref<2x79x128xi32, #tpu.memory_space<hbm>>) target(%arg6 : memref<2x79x128xi32, #tpu.memory_space<vmem>>) target_semaphore(%run_scoped3A : memref<!tpu.dma_semaphore, #tpu.memory_space<semaphore_mem>>)
      %dma_wait3A = arith.constant 0 : i32
      %dma_wait3A_30 = arith.constant 0 : i32
      %dma_wait3A_31 = tpu.memref_slice %arg2[%arg0, %mul3A_2, %dma_wait3A, %dma_wait3A_30] : memref<2x32x79x128xi32, #tpu.memory_space<hbm>> -> memref<1x2x79x128xi32, #tpu.memory_space<hbm>>
      %dma_wait3A_32 = tpu.memref_squeeze %dma_wait3A_31 : memref<1x2x79x128xi32, #tpu.memory_space<hbm>> -> memref<2x79x128xi32, #tpu.memory_space<hbm>>
      %dma_wait3A_33 = arith.constant 0 : i32
      %dma_wait3A_34 = arith.constant 0 : i32
      %dma_wait3A_35 = tpu.memref_slice %arg2[%arg0, %mul3A_2, %dma_wait3A_33, %dma_wait3A_34] : memref<2x32x79x128xi32, #tpu.memory_space<hbm>> -> memref<1x2x79x128xi32, #tpu.memory_space<hbm>>
      %dma_wait3A_36 = tpu.memref_squeeze %dma_wait3A_35 : memref<1x2x79x128xi32, #tpu.memory_space<hbm>> -> memref<2x79x128xi32, #tpu.memory_space<hbm>>
      tpu.wait_dma2 semaphore(%run_scoped3A : memref<!tpu.dma_semaphore, #tpu.memory_space<semaphore_mem>>) src(%dma_wait3A_36 : memref<2x79x128xi32, #tpu.memory_space<hbm>>) dst(%arg6 : memref<2x79x128xi32, #tpu.memory_space<vmem>>)
      tpu.yield
    }) : () -> ()
    %barrier3A = arith.constant 0 : index
    tpu.barrier barrier_id(%barrier3A)
    %sub3A = arith.constant 79 : i32
    %sub3A_3 = arith.constant 0 : i32
    %sub3A_4 = arith.subi %sub3A, %sub3A_3 : i32
    %sub3A_5 = arith.constant 1 : i32
    %sub3A_6 = arith.constant 1 : i32
    %sub3A_7 = arith.subi %sub3A_5, %sub3A_6 : i32
    %add3A = arith.addi %sub3A_4, %sub3A_7 : i32
    %div3A = arith.constant 1 : i32
    %div3A_8 = arith.divsi %add3A, %div3A : i32
    %while3A = arith.constant 1 : i32
    %while3A_9 = arith.constant 0 : i32
    %while3A_10 = arith.constant 0 : i32
    %while3A_11 = arith.subi %div3A_8, %while3A_10 : i32
    %while3A_12 = arith.addi %while3A_10, %while3A_11 : i32
    %while3A_13 = arith.constant 1 : i32
    %while3A_14 = arith.divsi %while3A_11, %while3A_13 : i32
    %while3A_15 = arith.muli %while3A_14, %while3A_13 : i32
    %while3A_16 = arith.addi %while3A_10, %while3A_15 : i32
    %while3A_17 = arith.constant 1 : i32
    scf.for %while3A_23 = %while3A_10 to %while3A_16 step %while3A_17  : i32 {
      %mul3A_24 = arith.muli %while3A_23, %while3A : i32
      %add3A_25 = arith.addi %while3A_9, %mul3A_24 : i32
      %run_scoped3A = arith.constant 0 : i32
      "tpu.region"() ({
        %run_scoped3A_27 = tpu.sem_alloc : memref<!tpu.dma_semaphore, #tpu.memory_space<semaphore_mem>>
        %dma_start3A = arith.constant 0 : i32
        %dma_start3A_28 = tpu.memref_slice %arg6[%run_scoped3A, %add3A_25, %dma_start3A] : memref<2x79x128xi32, #tpu.memory_space<vmem>> -> memref<1x1x128xi32, #tpu.memory_space<vmem>>
        %dma_start3A_29 = tpu.memref_squeeze %dma_start3A_28 : memref<1x1x128xi32, #tpu.memory_space<vmem>> -> memref<128xi32, #tpu.memory_space<vmem>>
        %dma_start3A_30 = arith.constant 0 : i32
        %dma_start3A_31 = arith.constant 0 : i32
        %dma_start3A_32 = tpu.memref_slice %arg8[%dma_start3A_30, %dma_start3A_31] : memref<10240x128xf32, #tpu.memory_space<vmem_shared>> -> memref<10240x128xf32, #tpu.memory_space<vmem_shared>>
        tpu.enqueue_indirect_dma source(%arg7 : memref<128x128xf32, #tpu.memory_space<vmem>>) target(%dma_start3A_32 : memref<10240x128xf32, #tpu.memory_space<vmem_shared>>) offsets(%dma_start3A_29 : memref<128xi32, #tpu.memory_space<vmem>>) semaphore(%run_scoped3A_27 : memref<!tpu.dma_semaphore, #tpu.memory_space<semaphore_mem>>) {add = true}
        %dma_wait3A = arith.constant 0 : i32
        %dma_wait3A_33 = tpu.memref_slice %arg6[%run_scoped3A, %add3A_25, %dma_wait3A] : memref<2x79x128xi32, #tpu.memory_space<vmem>> -> memref<1x1x128xi32, #tpu.memory_space<vmem>>
        %dma_wait3A_34 = tpu.memref_squeeze %dma_wait3A_33 : memref<1x1x128xi32, #tpu.memory_space<vmem>> -> memref<128xi32, #tpu.memory_space<vmem>>
        %dma_wait3A_35 = arith.constant 0 : i32
        %dma_wait3A_36 = arith.constant 0 : i32
        %dma_wait3A_37 = tpu.memref_slice %arg8[%dma_wait3A_35, %dma_wait3A_36] : memref<10240x128xf32, #tpu.memory_space<vmem_shared>> -> memref<10240x128xf32, #tpu.memory_space<vmem_shared>>
        tpu.wait_indirect_dma semaphore(%run_scoped3A_27 : memref<!tpu.dma_semaphore, #tpu.memory_space<semaphore_mem>>) src(%arg7 : memref<128x128xf32, #tpu.memory_space<vmem>>) dst(%dma_wait3A_37 : memref<10240x128xf32, #tpu.memory_space<vmem_shared>>)
        tpu.yield
      }) : () -> ()
      %run_scoped3A_26 = arith.constant 1 : i32
      "tpu.region"() ({
        %run_scoped3A_27 = tpu.sem_alloc : memref<!tpu.dma_semaphore, #tpu.memory_space<semaphore_mem>>
        %dma_start3A = arith.constant 0 : i32
        %dma_start3A_28 = tpu.memref_slice %arg6[%run_scoped3A_26, %add3A_25, %dma_start3A] : memref<2x79x128xi32, #tpu.memory_space<vmem>> -> memref<1x1x128xi32, #tpu.memory_space<vmem>>
        %dma_start3A_29 = tpu.memref_squeeze %dma_start3A_28 : memref<1x1x128xi32, #tpu.memory_space<vmem>> -> memref<128xi32, #tpu.memory_space<vmem>>
        %dma_start3A_30 = arith.constant 0 : i32
        %dma_start3A_31 = arith.constant 0 : i32
        %dma_start3A_32 = tpu.memref_slice %arg8[%dma_start3A_30, %dma_start3A_31] : memref<10240x128xf32, #tpu.memory_space<vmem_shared>> -> memref<10240x128xf32, #tpu.memory_space<vmem_shared>>
        tpu.enqueue_indirect_dma source(%arg7 : memref<128x128xf32, #tpu.memory_space<vmem>>) target(%dma_start3A_32 : memref<10240x128xf32, #tpu.memory_space<vmem_shared>>) offsets(%dma_start3A_29 : memref<128xi32, #tpu.memory_space<vmem>>) semaphore(%run_scoped3A_27 : memref<!tpu.dma_semaphore, #tpu.memory_space<semaphore_mem>>) {add = true}
        %dma_wait3A = arith.constant 0 : i32
        %dma_wait3A_33 = tpu.memref_slice %arg6[%run_scoped3A_26, %add3A_25, %dma_wait3A] : memref<2x79x128xi32, #tpu.memory_space<vmem>> -> memref<1x1x128xi32, #tpu.memory_space<vmem>>
        %dma_wait3A_34 = tpu.memref_squeeze %dma_wait3A_33 : memref<1x1x128xi32, #tpu.memory_space<vmem>> -> memref<128xi32, #tpu.memory_space<vmem>>
        %dma_wait3A_35 = arith.constant 0 : i32
        %dma_wait3A_36 = arith.constant 0 : i32
        %dma_wait3A_37 = tpu.memref_slice %arg8[%dma_wait3A_35, %dma_wait3A_36] : memref<10240x128xf32, #tpu.memory_space<vmem_shared>> -> memref<10240x128xf32, #tpu.memory_space<vmem_shared>>
        tpu.wait_indirect_dma semaphore(%run_scoped3A_27 : memref<!tpu.dma_semaphore, #tpu.memory_space<semaphore_mem>>) src(%arg7 : memref<128x128xf32, #tpu.memory_space<vmem>>) dst(%dma_wait3A_37 : memref<10240x128xf32, #tpu.memory_space<vmem_shared>>)
        tpu.yield
      }) : () -> ()
    }
    %while3A_18 = arith.constant 1 : i32
    scf.for %while3A_23 = %while3A_16 to %while3A_12 step %while3A_18  : i32 {
      %mul3A_24 = arith.muli %while3A_23, %while3A : i32
      %add3A_25 = arith.addi %while3A_9, %mul3A_24 : i32
      %run_scoped3A = arith.constant 0 : i32
      "tpu.region"() ({
        %run_scoped3A_27 = tpu.sem_alloc : memref<!tpu.dma_semaphore, #tpu.memory_space<semaphore_mem>>
        %dma_start3A = arith.constant 0 : i32
        %dma_start3A_28 = tpu.memref_slice %arg6[%run_scoped3A, %add3A_25, %dma_start3A] : memref<2x79x128xi32, #tpu.memory_space<vmem>> -> memref<1x1x128xi32, #tpu.memory_space<vmem>>
        %dma_start3A_29 = tpu.memref_squeeze %dma_start3A_28 : memref<1x1x128xi32, #tpu.memory_space<vmem>> -> memref<128xi32, #tpu.memory_space<vmem>>
        %dma_start3A_30 = arith.constant 0 : i32
        %dma_start3A_31 = arith.constant 0 : i32
        %dma_start3A_32 = tpu.memref_slice %arg8[%dma_start3A_30, %dma_start3A_31] : memref<10240x128xf32, #tpu.memory_space<vmem_shared>> -> memref<10240x128xf32, #tpu.memory_space<vmem_shared>>
        tpu.enqueue_indirect_dma source(%arg7 : memref<128x128xf32, #tpu.memory_space<vmem>>) target(%dma_start3A_32 : memref<10240x128xf32, #tpu.memory_space<vmem_shared>>) offsets(%dma_start3A_29 : memref<128xi32, #tpu.memory_space<vmem>>) semaphore(%run_scoped3A_27 : memref<!tpu.dma_semaphore, #tpu.memory_space<semaphore_mem>>) {add = true}
        %dma_wait3A = arith.constant 0 : i32
        %dma_wait3A_33 = tpu.memref_slice %arg6[%run_scoped3A, %add3A_25, %dma_wait3A] : memref<2x79x128xi32, #tpu.memory_space<vmem>> -> memref<1x1x128xi32, #tpu.memory_space<vmem>>
        %dma_wait3A_34 = tpu.memref_squeeze %dma_wait3A_33 : memref<1x1x128xi32, #tpu.memory_space<vmem>> -> memref<128xi32, #tpu.memory_space<vmem>>
        %dma_wait3A_35 = arith.constant 0 : i32
        %dma_wait3A_36 = arith.constant 0 : i32
        %dma_wait3A_37 = tpu.memref_slice %arg8[%dma_wait3A_35, %dma_wait3A_36] : memref<10240x128xf32, #tpu.memory_space<vmem_shared>> -> memref<10240x128xf32, #tpu.memory_space<vmem_shared>>
        tpu.wait_indirect_dma semaphore(%run_scoped3A_27 : memref<!tpu.dma_semaphore, #tpu.memory_space<semaphore_mem>>) src(%arg7 : memref<128x128xf32, #tpu.memory_space<vmem>>) dst(%dma_wait3A_37 : memref<10240x128xf32, #tpu.memory_space<vmem_shared>>)
        tpu.yield
      }) : () -> ()
      %run_scoped3A_26 = arith.constant 1 : i32
      "tpu.region"() ({
        %run_scoped3A_27 = tpu.sem_alloc : memref<!tpu.dma_semaphore, #tpu.memory_space<semaphore_mem>>
        %dma_start3A = arith.constant 0 : i32
        %dma_start3A_28 = tpu.memref_slice %arg6[%run_scoped3A_26, %add3A_25, %dma_start3A] : memref<2x79x128xi32, #tpu.memory_space<vmem>> -> memref<1x1x128xi32, #tpu.memory_space<vmem>>
        %dma_start3A_29 = tpu.memref_squeeze %dma_start3A_28 : memref<1x1x128xi32, #tpu.memory_space<vmem>> -> memref<128xi32, #tpu.memory_space<vmem>>
        %dma_start3A_30 = arith.constant 0 : i32
        %dma_start3A_31 = arith.constant 0 : i32
        %dma_start3A_32 = tpu.memref_slice %arg8[%dma_start3A_30, %dma_start3A_31] : memref<10240x128xf32, #tpu.memory_space<vmem_shared>> -> memref<10240x128xf32, #tpu.memory_space<vmem_shared>>
        tpu.enqueue_indirect_dma source(%arg7 : memref<128x128xf32, #tpu.memory_space<vmem>>) target(%dma_start3A_32 : memref<10240x128xf32, #tpu.memory_space<vmem_shared>>) offsets(%dma_start3A_29 : memref<128xi32, #tpu.memory_space<vmem>>) semaphore(%run_scoped3A_27 : memref<!tpu.dma_semaphore, #tpu.memory_space<semaphore_mem>>) {add = true}
        %dma_wait3A = arith.constant 0 : i32
        %dma_wait3A_33 = tpu.memref_slice %arg6[%run_scoped3A_26, %add3A_25, %dma_wait3A] : memref<2x79x128xi32, #tpu.memory_space<vmem>> -> memref<1x1x128xi32, #tpu.memory_space<vmem>>
        %dma_wait3A_34 = tpu.memref_squeeze %dma_wait3A_33 : memref<1x1x128xi32, #tpu.memory_space<vmem>> -> memref<128xi32, #tpu.memory_space<vmem>>
        %dma_wait3A_35 = arith.constant 0 : i32
        %dma_wait3A_36 = arith.constant 0 : i32
        %dma_wait3A_37 = tpu.memref_slice %arg8[%dma_wait3A_35, %dma_wait3A_36] : memref<10240x128xf32, #tpu.memory_space<vmem_shared>> -> memref<10240x128xf32, #tpu.memory_space<vmem_shared>>
        tpu.wait_indirect_dma semaphore(%run_scoped3A_27 : memref<!tpu.dma_semaphore, #tpu.memory_space<semaphore_mem>>) src(%arg7 : memref<128x128xf32, #tpu.memory_space<vmem>>) dst(%dma_wait3A_37 : memref<10240x128xf32, #tpu.memory_space<vmem_shared>>)
        tpu.yield
      }) : () -> ()
    }
    %barrier3A_19 = arith.constant 0 : index
    tpu.barrier barrier_id(%barrier3A_19)
    %mul3A_20 = arith.constant 10240 : i32
    %mul3A_21 = arith.muli %arg0, %mul3A_20 : i32
    %add3A_22 = arith.addi %mul3A_21, %mul3A_0 : i32
    "tpu.region"() ({
      %run_scoped3A = tpu.sem_alloc : memref<!tpu.dma_semaphore, #tpu.memory_space<semaphore_mem>>
      %dma_start3A = arith.constant 0 : i32
      %dma_start3A_23 = tpu.memref_slice %arg5[%add3A_22, %dma_start3A] : memref<20480x128xf32, #tpu.memory_space<hbm>> -> memref<640x128xf32, #tpu.memory_space<hbm>>
      %dma_start3A_24 = arith.constant 0 : i32
      %dma_start3A_25 = tpu.memref_slice %arg8[%mul3A_0, %dma_start3A_24] : memref<10240x128xf32, #tpu.memory_space<vmem_shared>> -> memref<640x128xf32, #tpu.memory_space<vmem_shared>>
      tpu.enqueue_dma source(%dma_start3A_25 : memref<640x128xf32, #tpu.memory_space<vmem_shared>>) target(%dma_start3A_23 : memref<640x128xf32, #tpu.memory_space<hbm>>) target_semaphore(%run_scoped3A : memref<!tpu.dma_semaphore, #tpu.memory_space<semaphore_mem>>)
      %dma_wait3A = arith.constant 0 : i32
      %dma_wait3A_26 = tpu.memref_slice %arg5[%add3A_22, %dma_wait3A] : memref<20480x128xf32, #tpu.memory_space<hbm>> -> memref<640x128xf32, #tpu.memory_space<hbm>>
      %dma_wait3A_27 = arith.constant 0 : i32
      %dma_wait3A_28 = tpu.memref_slice %arg8[%mul3A_0, %dma_wait3A_27] : memref<10240x128xf32, #tpu.memory_space<vmem_shared>> -> memref<640x128xf32, #tpu.memory_space<vmem_shared>>
      tpu.wait_dma2 semaphore(%run_scoped3A : memref<!tpu.dma_semaphore, #tpu.memory_space<semaphore_mem>>) src(%dma_wait3A_28 : memref<640x128xf32, #tpu.memory_space<vmem_shared>>) dst(%dma_wait3A_26 : memref<640x128xf32, #tpu.memory_space<hbm>>)
      tpu.yield
    }) : () -> ()
    return
  }
}

#map = affine_map<(d0, d1) -> (0, 0)>
#map1 = affine_map<(d0, d1) -> (0, 0, 0)>
module attributes {stable_mosaic.version = 14 : i64} {
  func.func @_sc_scatter(%arg0: i32, %arg1: i32, %arg2: memref<10240x128xf32, #tpu.memory_space<hbm>>, %arg3: memref<32x79x128xi32, #tpu.memory_space<hbm>>, %arg4: memref<32x79x128xi32, #tpu.memory_space<hbm>>, %arg5: memref<10240x128xf32, #tpu.memory_space<hbm>>, %arg6: memref<20480x128xf32, #tpu.memory_space<hbm>>, %arg7: memref<79x128xi32, #tpu.memory_space<vmem>>, %arg8: memref<79x128xi32, #tpu.memory_space<vmem>>, %arg9: memref<128x128xf32, #tpu.memory_space<vmem>>, %arg10: memref<10240x128xf32, #tpu.memory_space<vmem_shared>>, %arg11: memref<!tpu.dma_semaphore, #tpu.memory_space<semaphore_mem>>) attributes {dimension_semantics = [#tpu.dimension_semantics<core_parallel>, #tpu.dimension_semantics<subcore_parallel>], iteration_bounds = array<i64: 2, 16>, scalar_prefetch = 0 : i64, scratch_operands = 5 : i64, tpu.core_type = #tpu.core_type<sc_vector_subcore>, window_params = [{transform_indices = #map}, {transform_indices = #map1}, {transform_indices = #map1}, {transform_indices = #map}, {transform_indices = #map}]} {
    %mul3A = arith.constant 16 : i32
    %mul3A_0 = arith.muli %arg0, %mul3A : i32
    %add3A = arith.addi %mul3A_0, %arg1 : i32
    %mul3A_1 = arith.constant 640 : i32
    %mul3A_2 = arith.muli %arg1, %mul3A_1 : i32
    "tpu.region"() ({
      %run_scoped3A = tpu.sem_alloc : memref<!tpu.dma_semaphore, #tpu.memory_space<semaphore_mem>>
      %dma_start3A = arith.constant 0 : i32
      %dma_start3A_24 = tpu.memref_slice %arg10[%mul3A_2, %dma_start3A] : memref<10240x128xf32, #tpu.memory_space<vmem_shared>> -> memref<640x128xf32, #tpu.memory_space<vmem_shared>>
      %dma_start3A_25 = arith.constant 0 : i32
      %dma_start3A_26 = tpu.memref_slice %arg5[%mul3A_2, %dma_start3A_25] : memref<10240x128xf32, #tpu.memory_space<hbm>> -> memref<640x128xf32, #tpu.memory_space<hbm>>
      tpu.enqueue_dma source(%dma_start3A_26 : memref<640x128xf32, #tpu.memory_space<hbm>>) target(%dma_start3A_24 : memref<640x128xf32, #tpu.memory_space<vmem_shared>>) target_semaphore(%run_scoped3A : memref<!tpu.dma_semaphore, #tpu.memory_space<semaphore_mem>>)
      %dma_wait3A = arith.constant 0 : i32
      %dma_wait3A_27 = tpu.memref_slice %arg10[%mul3A_2, %dma_wait3A] : memref<10240x128xf32, #tpu.memory_space<vmem_shared>> -> memref<640x128xf32, #tpu.memory_space<vmem_shared>>
      %dma_wait3A_28 = arith.constant 0 : i32
      %dma_wait3A_29 = tpu.memref_slice %arg5[%mul3A_2, %dma_wait3A_28] : memref<10240x128xf32, #tpu.memory_space<hbm>> -> memref<640x128xf32, #tpu.memory_space<hbm>>
      tpu.wait_dma2 semaphore(%run_scoped3A : memref<!tpu.dma_semaphore, #tpu.memory_space<semaphore_mem>>) src(%dma_wait3A_29 : memref<640x128xf32, #tpu.memory_space<hbm>>) dst(%dma_wait3A_27 : memref<640x128xf32, #tpu.memory_space<vmem_shared>>)
      tpu.yield
    }) : () -> ()
    "tpu.region"() ({
      %run_scoped3A = tpu.sem_alloc : memref<!tpu.dma_semaphore, #tpu.memory_space<semaphore_mem>>
      %dma_start3A = arith.constant 0 : i32
      %dma_start3A_24 = arith.constant 0 : i32
      %dma_start3A_25 = tpu.memref_slice %arg3[%add3A, %dma_start3A, %dma_start3A_24] : memref<32x79x128xi32, #tpu.memory_space<hbm>> -> memref<1x79x128xi32, #tpu.memory_space<hbm>>
      %dma_start3A_26 = tpu.memref_squeeze %dma_start3A_25 : memref<1x79x128xi32, #tpu.memory_space<hbm>> -> memref<79x128xi32, #tpu.memory_space<hbm>>
      %dma_start3A_27 = arith.constant 0 : i32
      %dma_start3A_28 = arith.constant 0 : i32
      %dma_start3A_29 = tpu.memref_slice %arg3[%add3A, %dma_start3A_27, %dma_start3A_28] : memref<32x79x128xi32, #tpu.memory_space<hbm>> -> memref<1x79x128xi32, #tpu.memory_space<hbm>>
      %dma_start3A_30 = tpu.memref_squeeze %dma_start3A_29 : memref<1x79x128xi32, #tpu.memory_space<hbm>> -> memref<79x128xi32, #tpu.memory_space<hbm>>
      tpu.enqueue_dma source(%dma_start3A_30 : memref<79x128xi32, #tpu.memory_space<hbm>>) target(%arg7 : memref<79x128xi32, #tpu.memory_space<vmem>>) target_semaphore(%run_scoped3A : memref<!tpu.dma_semaphore, #tpu.memory_space<semaphore_mem>>)
      %dma_wait3A = arith.constant 0 : i32
      %dma_wait3A_31 = arith.constant 0 : i32
      %dma_wait3A_32 = tpu.memref_slice %arg3[%add3A, %dma_wait3A, %dma_wait3A_31] : memref<32x79x128xi32, #tpu.memory_space<hbm>> -> memref<1x79x128xi32, #tpu.memory_space<hbm>>
      %dma_wait3A_33 = tpu.memref_squeeze %dma_wait3A_32 : memref<1x79x128xi32, #tpu.memory_space<hbm>> -> memref<79x128xi32, #tpu.memory_space<hbm>>
      %dma_wait3A_34 = arith.constant 0 : i32
      %dma_wait3A_35 = arith.constant 0 : i32
      %dma_wait3A_36 = tpu.memref_slice %arg3[%add3A, %dma_wait3A_34, %dma_wait3A_35] : memref<32x79x128xi32, #tpu.memory_space<hbm>> -> memref<1x79x128xi32, #tpu.memory_space<hbm>>
      %dma_wait3A_37 = tpu.memref_squeeze %dma_wait3A_36 : memref<1x79x128xi32, #tpu.memory_space<hbm>> -> memref<79x128xi32, #tpu.memory_space<hbm>>
      tpu.wait_dma2 semaphore(%run_scoped3A : memref<!tpu.dma_semaphore, #tpu.memory_space<semaphore_mem>>) src(%dma_wait3A_37 : memref<79x128xi32, #tpu.memory_space<hbm>>) dst(%arg7 : memref<79x128xi32, #tpu.memory_space<vmem>>)
      tpu.yield
    }) : () -> ()
    "tpu.region"() ({
      %run_scoped3A = tpu.sem_alloc : memref<!tpu.dma_semaphore, #tpu.memory_space<semaphore_mem>>
      %dma_start3A = arith.constant 0 : i32
      %dma_start3A_24 = arith.constant 0 : i32
      %dma_start3A_25 = tpu.memref_slice %arg4[%add3A, %dma_start3A, %dma_start3A_24] : memref<32x79x128xi32, #tpu.memory_space<hbm>> -> memref<1x79x128xi32, #tpu.memory_space<hbm>>
      %dma_start3A_26 = tpu.memref_squeeze %dma_start3A_25 : memref<1x79x128xi32, #tpu.memory_space<hbm>> -> memref<79x128xi32, #tpu.memory_space<hbm>>
      %dma_start3A_27 = arith.constant 0 : i32
      %dma_start3A_28 = arith.constant 0 : i32
      %dma_start3A_29 = tpu.memref_slice %arg4[%add3A, %dma_start3A_27, %dma_start3A_28] : memref<32x79x128xi32, #tpu.memory_space<hbm>> -> memref<1x79x128xi32, #tpu.memory_space<hbm>>
      %dma_start3A_30 = tpu.memref_squeeze %dma_start3A_29 : memref<1x79x128xi32, #tpu.memory_space<hbm>> -> memref<79x128xi32, #tpu.memory_space<hbm>>
      tpu.enqueue_dma source(%dma_start3A_30 : memref<79x128xi32, #tpu.memory_space<hbm>>) target(%arg8 : memref<79x128xi32, #tpu.memory_space<vmem>>) target_semaphore(%run_scoped3A : memref<!tpu.dma_semaphore, #tpu.memory_space<semaphore_mem>>)
      %dma_wait3A = arith.constant 0 : i32
      %dma_wait3A_31 = arith.constant 0 : i32
      %dma_wait3A_32 = tpu.memref_slice %arg4[%add3A, %dma_wait3A, %dma_wait3A_31] : memref<32x79x128xi32, #tpu.memory_space<hbm>> -> memref<1x79x128xi32, #tpu.memory_space<hbm>>
      %dma_wait3A_33 = tpu.memref_squeeze %dma_wait3A_32 : memref<1x79x128xi32, #tpu.memory_space<hbm>> -> memref<79x128xi32, #tpu.memory_space<hbm>>
      %dma_wait3A_34 = arith.constant 0 : i32
      %dma_wait3A_35 = arith.constant 0 : i32
      %dma_wait3A_36 = tpu.memref_slice %arg4[%add3A, %dma_wait3A_34, %dma_wait3A_35] : memref<32x79x128xi32, #tpu.memory_space<hbm>> -> memref<1x79x128xi32, #tpu.memory_space<hbm>>
      %dma_wait3A_37 = tpu.memref_squeeze %dma_wait3A_36 : memref<1x79x128xi32, #tpu.memory_space<hbm>> -> memref<79x128xi32, #tpu.memory_space<hbm>>
      tpu.wait_dma2 semaphore(%run_scoped3A : memref<!tpu.dma_semaphore, #tpu.memory_space<semaphore_mem>>) src(%dma_wait3A_37 : memref<79x128xi32, #tpu.memory_space<hbm>>) dst(%arg8 : memref<79x128xi32, #tpu.memory_space<vmem>>)
      tpu.yield
    }) : () -> ()
    %barrier3A = arith.constant 0 : index
    tpu.barrier barrier_id(%barrier3A)
    %sub3A = arith.constant 79 : i32
    %sub3A_3 = arith.constant 0 : i32
    %sub3A_4 = arith.subi %sub3A, %sub3A_3 : i32
    %sub3A_5 = arith.constant 1 : i32
    %sub3A_6 = arith.constant 1 : i32
    %sub3A_7 = arith.subi %sub3A_5, %sub3A_6 : i32
    %add3A_8 = arith.addi %sub3A_4, %sub3A_7 : i32
    %div3A = arith.constant 1 : i32
    %div3A_9 = arith.divsi %add3A_8, %div3A : i32
    %while3A = arith.constant 1 : i32
    %while3A_10 = arith.constant 0 : i32
    %while3A_11 = arith.constant 0 : i32
    %while3A_12 = arith.subi %div3A_9, %while3A_11 : i32
    %while3A_13 = arith.addi %while3A_11, %while3A_12 : i32
    %while3A_14 = arith.constant 1 : i32
    %while3A_15 = arith.divsi %while3A_12, %while3A_14 : i32
    %while3A_16 = arith.muli %while3A_15, %while3A_14 : i32
    %while3A_17 = arith.addi %while3A_11, %while3A_16 : i32
    %while3A_18 = arith.constant 1 : i32
    scf.for %while3A_24 = %while3A_11 to %while3A_17 step %while3A_18  : i32 {
      %mul3A_25 = arith.muli %while3A_24, %while3A : i32
      %add3A_26 = arith.addi %while3A_10, %mul3A_25 : i32
      %dma_start3A = arith.constant 0 : i32
      %dma_start3A_27 = tpu.memref_slice %arg7[%add3A_26, %dma_start3A] : memref<79x128xi32, #tpu.memory_space<vmem>> -> memref<1x128xi32, #tpu.memory_space<vmem>>
      %dma_start3A_28 = tpu.memref_squeeze %dma_start3A_27 : memref<1x128xi32, #tpu.memory_space<vmem>> -> memref<128xi32, #tpu.memory_space<vmem>>
      %dma_start3A_29 = arith.constant 0 : i32
      %dma_start3A_30 = arith.constant 0 : i32
      %dma_start3A_31 = tpu.memref_slice %arg2[%dma_start3A_29, %dma_start3A_30] : memref<10240x128xf32, #tpu.memory_space<hbm>> -> memref<10240x128xf32, #tpu.memory_space<hbm>>
      tpu.enqueue_indirect_dma source(%dma_start3A_31 : memref<10240x128xf32, #tpu.memory_space<hbm>>) target(%arg9 : memref<128x128xf32, #tpu.memory_space<vmem>>) offsets(%dma_start3A_28 : memref<128xi32, #tpu.memory_space<vmem>>) semaphore(%arg11 : memref<!tpu.dma_semaphore, #tpu.memory_space<semaphore_mem>>)
      %dma_wait3A = arith.constant 0 : i32
      %dma_wait3A_32 = tpu.memref_slice %arg7[%add3A_26, %dma_wait3A] : memref<79x128xi32, #tpu.memory_space<vmem>> -> memref<1x128xi32, #tpu.memory_space<vmem>>
      %dma_wait3A_33 = tpu.memref_squeeze %dma_wait3A_32 : memref<1x128xi32, #tpu.memory_space<vmem>> -> memref<128xi32, #tpu.memory_space<vmem>>
      %dma_wait3A_34 = arith.constant 0 : i32
      %dma_wait3A_35 = arith.constant 0 : i32
      %dma_wait3A_36 = tpu.memref_slice %arg2[%dma_wait3A_34, %dma_wait3A_35] : memref<10240x128xf32, #tpu.memory_space<hbm>> -> memref<10240x128xf32, #tpu.memory_space<hbm>>
      tpu.wait_indirect_dma semaphore(%arg11 : memref<!tpu.dma_semaphore, #tpu.memory_space<semaphore_mem>>) src(%dma_wait3A_36 : memref<10240x128xf32, #tpu.memory_space<hbm>>) dst(%arg9 : memref<128x128xf32, #tpu.memory_space<vmem>>)
      "tpu.region"() ({
        %run_scoped3A = tpu.sem_alloc : memref<!tpu.dma_semaphore, #tpu.memory_space<semaphore_mem>>
        %dma_start3A_37 = arith.constant 0 : i32
        %dma_start3A_38 = tpu.memref_slice %arg8[%add3A_26, %dma_start3A_37] : memref<79x128xi32, #tpu.memory_space<vmem>> -> memref<1x128xi32, #tpu.memory_space<vmem>>
        %dma_start3A_39 = tpu.memref_squeeze %dma_start3A_38 : memref<1x128xi32, #tpu.memory_space<vmem>> -> memref<128xi32, #tpu.memory_space<vmem>>
        %dma_start3A_40 = arith.constant 0 : i32
        %dma_start3A_41 = arith.constant 0 : i32
        %dma_start3A_42 = tpu.memref_slice %arg10[%dma_start3A_40, %dma_start3A_41] : memref<10240x128xf32, #tpu.memory_space<vmem_shared>> -> memref<10240x128xf32, #tpu.memory_space<vmem_shared>>
        tpu.enqueue_indirect_dma source(%arg9 : memref<128x128xf32, #tpu.memory_space<vmem>>) target(%dma_start3A_42 : memref<10240x128xf32, #tpu.memory_space<vmem_shared>>) offsets(%dma_start3A_39 : memref<128xi32, #tpu.memory_space<vmem>>) semaphore(%run_scoped3A : memref<!tpu.dma_semaphore, #tpu.memory_space<semaphore_mem>>) {add = true}
        %dma_wait3A_43 = arith.constant 0 : i32
        %dma_wait3A_44 = tpu.memref_slice %arg8[%add3A_26, %dma_wait3A_43] : memref<79x128xi32, #tpu.memory_space<vmem>> -> memref<1x128xi32, #tpu.memory_space<vmem>>
        %dma_wait3A_45 = tpu.memref_squeeze %dma_wait3A_44 : memref<1x128xi32, #tpu.memory_space<vmem>> -> memref<128xi32, #tpu.memory_space<vmem>>
        %dma_wait3A_46 = arith.constant 0 : i32
        %dma_wait3A_47 = arith.constant 0 : i32
        %dma_wait3A_48 = tpu.memref_slice %arg10[%dma_wait3A_46, %dma_wait3A_47] : memref<10240x128xf32, #tpu.memory_space<vmem_shared>> -> memref<10240x128xf32, #tpu.memory_space<vmem_shared>>
        tpu.wait_indirect_dma semaphore(%run_scoped3A : memref<!tpu.dma_semaphore, #tpu.memory_space<semaphore_mem>>) src(%arg9 : memref<128x128xf32, #tpu.memory_space<vmem>>) dst(%dma_wait3A_48 : memref<10240x128xf32, #tpu.memory_space<vmem_shared>>)
        tpu.yield
      }) : () -> ()
    }
    %while3A_19 = arith.constant 1 : i32
    scf.for %while3A_24 = %while3A_17 to %while3A_13 step %while3A_19  : i32 {
      %mul3A_25 = arith.muli %while3A_24, %while3A : i32
      %add3A_26 = arith.addi %while3A_10, %mul3A_25 : i32
      %dma_start3A = arith.constant 0 : i32
      %dma_start3A_27 = tpu.memref_slice %arg7[%add3A_26, %dma_start3A] : memref<79x128xi32, #tpu.memory_space<vmem>> -> memref<1x128xi32, #tpu.memory_space<vmem>>
      %dma_start3A_28 = tpu.memref_squeeze %dma_start3A_27 : memref<1x128xi32, #tpu.memory_space<vmem>> -> memref<128xi32, #tpu.memory_space<vmem>>
      %dma_start3A_29 = arith.constant 0 : i32
      %dma_start3A_30 = arith.constant 0 : i32
      %dma_start3A_31 = tpu.memref_slice %arg2[%dma_start3A_29, %dma_start3A_30] : memref<10240x128xf32, #tpu.memory_space<hbm>> -> memref<10240x128xf32, #tpu.memory_space<hbm>>
      tpu.enqueue_indirect_dma source(%dma_start3A_31 : memref<10240x128xf32, #tpu.memory_space<hbm>>) target(%arg9 : memref<128x128xf32, #tpu.memory_space<vmem>>) offsets(%dma_start3A_28 : memref<128xi32, #tpu.memory_space<vmem>>) semaphore(%arg11 : memref<!tpu.dma_semaphore, #tpu.memory_space<semaphore_mem>>)
      %dma_wait3A = arith.constant 0 : i32
      %dma_wait3A_32 = tpu.memref_slice %arg7[%add3A_26, %dma_wait3A] : memref<79x128xi32, #tpu.memory_space<vmem>> -> memref<1x128xi32, #tpu.memory_space<vmem>>
      %dma_wait3A_33 = tpu.memref_squeeze %dma_wait3A_32 : memref<1x128xi32, #tpu.memory_space<vmem>> -> memref<128xi32, #tpu.memory_space<vmem>>
      %dma_wait3A_34 = arith.constant 0 : i32
      %dma_wait3A_35 = arith.constant 0 : i32
      %dma_wait3A_36 = tpu.memref_slice %arg2[%dma_wait3A_34, %dma_wait3A_35] : memref<10240x128xf32, #tpu.memory_space<hbm>> -> memref<10240x128xf32, #tpu.memory_space<hbm>>
      tpu.wait_indirect_dma semaphore(%arg11 : memref<!tpu.dma_semaphore, #tpu.memory_space<semaphore_mem>>) src(%dma_wait3A_36 : memref<10240x128xf32, #tpu.memory_space<hbm>>) dst(%arg9 : memref<128x128xf32, #tpu.memory_space<vmem>>)
      "tpu.region"() ({
        %run_scoped3A = tpu.sem_alloc : memref<!tpu.dma_semaphore, #tpu.memory_space<semaphore_mem>>
        %dma_start3A_37 = arith.constant 0 : i32
        %dma_start3A_38 = tpu.memref_slice %arg8[%add3A_26, %dma_start3A_37] : memref<79x128xi32, #tpu.memory_space<vmem>> -> memref<1x128xi32, #tpu.memory_space<vmem>>
        %dma_start3A_39 = tpu.memref_squeeze %dma_start3A_38 : memref<1x128xi32, #tpu.memory_space<vmem>> -> memref<128xi32, #tpu.memory_space<vmem>>
        %dma_start3A_40 = arith.constant 0 : i32
        %dma_start3A_41 = arith.constant 0 : i32
        %dma_start3A_42 = tpu.memref_slice %arg10[%dma_start3A_40, %dma_start3A_41] : memref<10240x128xf32, #tpu.memory_space<vmem_shared>> -> memref<10240x128xf32, #tpu.memory_space<vmem_shared>>
        tpu.enqueue_indirect_dma source(%arg9 : memref<128x128xf32, #tpu.memory_space<vmem>>) target(%dma_start3A_42 : memref<10240x128xf32, #tpu.memory_space<vmem_shared>>) offsets(%dma_start3A_39 : memref<128xi32, #tpu.memory_space<vmem>>) semaphore(%run_scoped3A : memref<!tpu.dma_semaphore, #tpu.memory_space<semaphore_mem>>) {add = true}
        %dma_wait3A_43 = arith.constant 0 : i32
        %dma_wait3A_44 = tpu.memref_slice %arg8[%add3A_26, %dma_wait3A_43] : memref<79x128xi32, #tpu.memory_space<vmem>> -> memref<1x128xi32, #tpu.memory_space<vmem>>
        %dma_wait3A_45 = tpu.memref_squeeze %dma_wait3A_44 : memref<1x128xi32, #tpu.memory_space<vmem>> -> memref<128xi32, #tpu.memory_space<vmem>>
        %dma_wait3A_46 = arith.constant 0 : i32
        %dma_wait3A_47 = arith.constant 0 : i32
        %dma_wait3A_48 = tpu.memref_slice %arg10[%dma_wait3A_46, %dma_wait3A_47] : memref<10240x128xf32, #tpu.memory_space<vmem_shared>> -> memref<10240x128xf32, #tpu.memory_space<vmem_shared>>
        tpu.wait_indirect_dma semaphore(%run_scoped3A : memref<!tpu.dma_semaphore, #tpu.memory_space<semaphore_mem>>) src(%arg9 : memref<128x128xf32, #tpu.memory_space<vmem>>) dst(%dma_wait3A_48 : memref<10240x128xf32, #tpu.memory_space<vmem_shared>>)
        tpu.yield
      }) : () -> ()
    }
    %barrier3A_20 = arith.constant 0 : index
    tpu.barrier barrier_id(%barrier3A_20)
    %mul3A_21 = arith.constant 10240 : i32
    %mul3A_22 = arith.muli %arg0, %mul3A_21 : i32
    %add3A_23 = arith.addi %mul3A_22, %mul3A_2 : i32
    "tpu.region"() ({
      %run_scoped3A = tpu.sem_alloc : memref<!tpu.dma_semaphore, #tpu.memory_space<semaphore_mem>>
      %dma_start3A = arith.constant 0 : i32
      %dma_start3A_24 = tpu.memref_slice %arg6[%add3A_23, %dma_start3A] : memref<20480x128xf32, #tpu.memory_space<hbm>> -> memref<640x128xf32, #tpu.memory_space<hbm>>
      %dma_start3A_25 = arith.constant 0 : i32
      %dma_start3A_26 = tpu.memref_slice %arg10[%mul3A_2, %dma_start3A_25] : memref<10240x128xf32, #tpu.memory_space<vmem_shared>> -> memref<640x128xf32, #tpu.memory_space<vmem_shared>>
      tpu.enqueue_dma source(%dma_start3A_26 : memref<640x128xf32, #tpu.memory_space<vmem_shared>>) target(%dma_start3A_24 : memref<640x128xf32, #tpu.memory_space<hbm>>) target_semaphore(%run_scoped3A : memref<!tpu.dma_semaphore, #tpu.memory_space<semaphore_mem>>)
      %dma_wait3A = arith.constant 0 : i32
      %dma_wait3A_27 = tpu.memref_slice %arg6[%add3A_23, %dma_wait3A] : memref<20480x128xf32, #tpu.memory_space<hbm>> -> memref<640x128xf32, #tpu.memory_space<hbm>>
      %dma_wait3A_28 = arith.constant 0 : i32
      %dma_wait3A_29 = tpu.memref_slice %arg10[%mul3A_2, %dma_wait3A_28] : memref<10240x128xf32, #tpu.memory_space<vmem_shared>> -> memref<640x128xf32, #tpu.memory_space<vmem_shared>>
      tpu.wait_dma2 semaphore(%run_scoped3A : memref<!tpu.dma_semaphore, #tpu.memory_space<semaphore_mem>>) src(%dma_wait3A_29 : memref<640x128xf32, #tpu.memory_space<vmem_shared>>) dst(%dma_wait3A_27 : memref<640x128xf32, #tpu.memory_space<hbm>>)
      tpu.yield
    }) : () -> ()
    return
  }
}

#map = affine_map<(d0, d1) -> (0, 0)>
#map1 = affine_map<(d0, d1) -> (0, 0, 0)>
module attributes {stable_mosaic.version = 14 : i64} {
  func.func @_sc_scatter(%arg0: i32, %arg1: i32, %arg2: memref<10240x128xf32, #tpu.memory_space<hbm>>, %arg3: memref<32x79x128xi32, #tpu.memory_space<hbm>>, %arg4: memref<32x79x128xi32, #tpu.memory_space<hbm>>, %arg5: memref<10240x128xf32, #tpu.memory_space<hbm>>, %arg6: memref<20480x128xf32, #tpu.memory_space<hbm>>, %arg7: memref<79x128xi32, #tpu.memory_space<vmem>>, %arg8: memref<79x128xi32, #tpu.memory_space<vmem>>, %arg9: memref<128x128xf32, #tpu.memory_space<vmem>>, %arg10: memref<10240x128xf32, #tpu.memory_space<vmem_shared>>, %arg11: memref<!tpu.dma_semaphore, #tpu.memory_space<semaphore_mem>>) attributes {dimension_semantics = [#tpu.dimension_semantics<core_parallel>, #tpu.dimension_semantics<subcore_parallel>], iteration_bounds = array<i64: 2, 16>, scalar_prefetch = 0 : i64, scratch_operands = 5 : i64, tpu.core_type = #tpu.core_type<sc_vector_subcore>, window_params = [{transform_indices = #map}, {transform_indices = #map1}, {transform_indices = #map1}, {transform_indices = #map}, {transform_indices = #map}]} {
    %mul3A = arith.constant 16 : i32
    %mul3A_0 = arith.muli %arg0, %mul3A : i32
    %add3A = arith.addi %mul3A_0, %arg1 : i32
    %mul3A_1 = arith.constant 640 : i32
    %mul3A_2 = arith.muli %arg1, %mul3A_1 : i32
    "tpu.region"() ({
      %run_scoped3A = tpu.sem_alloc : memref<!tpu.dma_semaphore, #tpu.memory_space<semaphore_mem>>
      %dma_start3A = arith.constant 0 : i32
      %dma_start3A_24 = tpu.memref_slice %arg10[%mul3A_2, %dma_start3A] : memref<10240x128xf32, #tpu.memory_space<vmem_shared>> -> memref<640x128xf32, #tpu.memory_space<vmem_shared>>
      %dma_start3A_25 = arith.constant 0 : i32
      %dma_start3A_26 = tpu.memref_slice %arg5[%mul3A_2, %dma_start3A_25] : memref<10240x128xf32, #tpu.memory_space<hbm>> -> memref<640x128xf32, #tpu.memory_space<hbm>>
      tpu.enqueue_dma source(%dma_start3A_26 : memref<640x128xf32, #tpu.memory_space<hbm>>) target(%dma_start3A_24 : memref<640x128xf32, #tpu.memory_space<vmem_shared>>) target_semaphore(%run_scoped3A : memref<!tpu.dma_semaphore, #tpu.memory_space<semaphore_mem>>)
      %dma_wait3A = arith.constant 0 : i32
      %dma_wait3A_27 = tpu.memref_slice %arg10[%mul3A_2, %dma_wait3A] : memref<10240x128xf32, #tpu.memory_space<vmem_shared>> -> memref<640x128xf32, #tpu.memory_space<vmem_shared>>
      %dma_wait3A_28 = arith.constant 0 : i32
      %dma_wait3A_29 = tpu.memref_slice %arg5[%mul3A_2, %dma_wait3A_28] : memref<10240x128xf32, #tpu.memory_space<hbm>> -> memref<640x128xf32, #tpu.memory_space<hbm>>
      tpu.wait_dma2 semaphore(%run_scoped3A : memref<!tpu.dma_semaphore, #tpu.memory_space<semaphore_mem>>) src(%dma_wait3A_29 : memref<640x128xf32, #tpu.memory_space<hbm>>) dst(%dma_wait3A_27 : memref<640x128xf32, #tpu.memory_space<vmem_shared>>)
      tpu.yield
    }) : () -> ()
    "tpu.region"() ({
      %run_scoped3A = tpu.sem_alloc : memref<!tpu.dma_semaphore, #tpu.memory_space<semaphore_mem>>
      %dma_start3A = arith.constant 0 : i32
      %dma_start3A_24 = arith.constant 0 : i32
      %dma_start3A_25 = tpu.memref_slice %arg3[%add3A, %dma_start3A, %dma_start3A_24] : memref<32x79x128xi32, #tpu.memory_space<hbm>> -> memref<1x79x128xi32, #tpu.memory_space<hbm>>
      %dma_start3A_26 = tpu.memref_squeeze %dma_start3A_25 : memref<1x79x128xi32, #tpu.memory_space<hbm>> -> memref<79x128xi32, #tpu.memory_space<hbm>>
      %dma_start3A_27 = arith.constant 0 : i32
      %dma_start3A_28 = arith.constant 0 : i32
      %dma_start3A_29 = tpu.memref_slice %arg3[%add3A, %dma_start3A_27, %dma_start3A_28] : memref<32x79x128xi32, #tpu.memory_space<hbm>> -> memref<1x79x128xi32, #tpu.memory_space<hbm>>
      %dma_start3A_30 = tpu.memref_squeeze %dma_start3A_29 : memref<1x79x128xi32, #tpu.memory_space<hbm>> -> memref<79x128xi32, #tpu.memory_space<hbm>>
      tpu.enqueue_dma source(%dma_start3A_30 : memref<79x128xi32, #tpu.memory_space<hbm>>) target(%arg7 : memref<79x128xi32, #tpu.memory_space<vmem>>) target_semaphore(%run_scoped3A : memref<!tpu.dma_semaphore, #tpu.memory_space<semaphore_mem>>)
      %dma_wait3A = arith.constant 0 : i32
      %dma_wait3A_31 = arith.constant 0 : i32
      %dma_wait3A_32 = tpu.memref_slice %arg3[%add3A, %dma_wait3A, %dma_wait3A_31] : memref<32x79x128xi32, #tpu.memory_space<hbm>> -> memref<1x79x128xi32, #tpu.memory_space<hbm>>
      %dma_wait3A_33 = tpu.memref_squeeze %dma_wait3A_32 : memref<1x79x128xi32, #tpu.memory_space<hbm>> -> memref<79x128xi32, #tpu.memory_space<hbm>>
      %dma_wait3A_34 = arith.constant 0 : i32
      %dma_wait3A_35 = arith.constant 0 : i32
      %dma_wait3A_36 = tpu.memref_slice %arg3[%add3A, %dma_wait3A_34, %dma_wait3A_35] : memref<32x79x128xi32, #tpu.memory_space<hbm>> -> memref<1x79x128xi32, #tpu.memory_space<hbm>>
      %dma_wait3A_37 = tpu.memref_squeeze %dma_wait3A_36 : memref<1x79x128xi32, #tpu.memory_space<hbm>> -> memref<79x128xi32, #tpu.memory_space<hbm>>
      tpu.wait_dma2 semaphore(%run_scoped3A : memref<!tpu.dma_semaphore, #tpu.memory_space<semaphore_mem>>) src(%dma_wait3A_37 : memref<79x128xi32, #tpu.memory_space<hbm>>) dst(%arg7 : memref<79x128xi32, #tpu.memory_space<vmem>>)
      tpu.yield
    }) : () -> ()
    "tpu.region"() ({
      %run_scoped3A = tpu.sem_alloc : memref<!tpu.dma_semaphore, #tpu.memory_space<semaphore_mem>>
      %dma_start3A = arith.constant 0 : i32
      %dma_start3A_24 = arith.constant 0 : i32
      %dma_start3A_25 = tpu.memref_slice %arg4[%add3A, %dma_start3A, %dma_start3A_24] : memref<32x79x128xi32, #tpu.memory_space<hbm>> -> memref<1x79x128xi32, #tpu.memory_space<hbm>>
      %dma_start3A_26 = tpu.memref_squeeze %dma_start3A_25 : memref<1x79x128xi32, #tpu.memory_space<hbm>> -> memref<79x128xi32, #tpu.memory_space<hbm>>
      %dma_start3A_27 = arith.constant 0 : i32
      %dma_start3A_28 = arith.constant 0 : i32
      %dma_start3A_29 = tpu.memref_slice %arg4[%add3A, %dma_start3A_27, %dma_start3A_28] : memref<32x79x128xi32, #tpu.memory_space<hbm>> -> memref<1x79x128xi32, #tpu.memory_space<hbm>>
      %dma_start3A_30 = tpu.memref_squeeze %dma_start3A_29 : memref<1x79x128xi32, #tpu.memory_space<hbm>> -> memref<79x128xi32, #tpu.memory_space<hbm>>
      tpu.enqueue_dma source(%dma_start3A_30 : memref<79x128xi32, #tpu.memory_space<hbm>>) target(%arg8 : memref<79x128xi32, #tpu.memory_space<vmem>>) target_semaphore(%run_scoped3A : memref<!tpu.dma_semaphore, #tpu.memory_space<semaphore_mem>>)
      %dma_wait3A = arith.constant 0 : i32
      %dma_wait3A_31 = arith.constant 0 : i32
      %dma_wait3A_32 = tpu.memref_slice %arg4[%add3A, %dma_wait3A, %dma_wait3A_31] : memref<32x79x128xi32, #tpu.memory_space<hbm>> -> memref<1x79x128xi32, #tpu.memory_space<hbm>>
      %dma_wait3A_33 = tpu.memref_squeeze %dma_wait3A_32 : memref<1x79x128xi32, #tpu.memory_space<hbm>> -> memref<79x128xi32, #tpu.memory_space<hbm>>
      %dma_wait3A_34 = arith.constant 0 : i32
      %dma_wait3A_35 = arith.constant 0 : i32
      %dma_wait3A_36 = tpu.memref_slice %arg4[%add3A, %dma_wait3A_34, %dma_wait3A_35] : memref<32x79x128xi32, #tpu.memory_space<hbm>> -> memref<1x79x128xi32, #tpu.memory_space<hbm>>
      %dma_wait3A_37 = tpu.memref_squeeze %dma_wait3A_36 : memref<1x79x128xi32, #tpu.memory_space<hbm>> -> memref<79x128xi32, #tpu.memory_space<hbm>>
      tpu.wait_dma2 semaphore(%run_scoped3A : memref<!tpu.dma_semaphore, #tpu.memory_space<semaphore_mem>>) src(%dma_wait3A_37 : memref<79x128xi32, #tpu.memory_space<hbm>>) dst(%arg8 : memref<79x128xi32, #tpu.memory_space<vmem>>)
      tpu.yield
    }) : () -> ()
    %barrier3A = arith.constant 0 : index
    tpu.barrier barrier_id(%barrier3A)
    %sub3A = arith.constant 79 : i32
    %sub3A_3 = arith.constant 0 : i32
    %sub3A_4 = arith.subi %sub3A, %sub3A_3 : i32
    %sub3A_5 = arith.constant 1 : i32
    %sub3A_6 = arith.constant 1 : i32
    %sub3A_7 = arith.subi %sub3A_5, %sub3A_6 : i32
    %add3A_8 = arith.addi %sub3A_4, %sub3A_7 : i32
    %div3A = arith.constant 1 : i32
    %div3A_9 = arith.divsi %add3A_8, %div3A : i32
    %while3A = arith.constant 1 : i32
    %while3A_10 = arith.constant 0 : i32
    %while3A_11 = arith.constant 0 : i32
    %while3A_12 = arith.subi %div3A_9, %while3A_11 : i32
    %while3A_13 = arith.addi %while3A_11, %while3A_12 : i32
    %while3A_14 = arith.constant 1 : i32
    %while3A_15 = arith.divsi %while3A_12, %while3A_14 : i32
    %while3A_16 = arith.muli %while3A_15, %while3A_14 : i32
    %while3A_17 = arith.addi %while3A_11, %while3A_16 : i32
    %while3A_18 = arith.constant 1 : i32
    scf.for %while3A_24 = %while3A_11 to %while3A_17 step %while3A_18  : i32 {
      %mul3A_25 = arith.muli %while3A_24, %while3A : i32
      %add3A_26 = arith.addi %while3A_10, %mul3A_25 : i32
      %dma_start3A = arith.constant 0 : i32
      %dma_start3A_27 = tpu.memref_slice %arg7[%add3A_26, %dma_start3A] : memref<79x128xi32, #tpu.memory_space<vmem>> -> memref<1x128xi32, #tpu.memory_space<vmem>>
      %dma_start3A_28 = tpu.memref_squeeze %dma_start3A_27 : memref<1x128xi32, #tpu.memory_space<vmem>> -> memref<128xi32, #tpu.memory_space<vmem>>
      %dma_start3A_29 = arith.constant 0 : i32
      %dma_start3A_30 = arith.constant 0 : i32
      %dma_start3A_31 = tpu.memref_slice %arg2[%dma_start3A_29, %dma_start3A_30] : memref<10240x128xf32, #tpu.memory_space<hbm>> -> memref<10240x128xf32, #tpu.memory_space<hbm>>
      tpu.enqueue_indirect_dma source(%dma_start3A_31 : memref<10240x128xf32, #tpu.memory_space<hbm>>) target(%arg9 : memref<128x128xf32, #tpu.memory_space<vmem>>) offsets(%dma_start3A_28 : memref<128xi32, #tpu.memory_space<vmem>>) semaphore(%arg11 : memref<!tpu.dma_semaphore, #tpu.memory_space<semaphore_mem>>)
      %dma_wait3A = arith.constant 0 : i32
      %dma_wait3A_32 = tpu.memref_slice %arg7[%add3A_26, %dma_wait3A] : memref<79x128xi32, #tpu.memory_space<vmem>> -> memref<1x128xi32, #tpu.memory_space<vmem>>
      %dma_wait3A_33 = tpu.memref_squeeze %dma_wait3A_32 : memref<1x128xi32, #tpu.memory_space<vmem>> -> memref<128xi32, #tpu.memory_space<vmem>>
      %dma_wait3A_34 = arith.constant 0 : i32
      %dma_wait3A_35 = arith.constant 0 : i32
      %dma_wait3A_36 = tpu.memref_slice %arg2[%dma_wait3A_34, %dma_wait3A_35] : memref<10240x128xf32, #tpu.memory_space<hbm>> -> memref<10240x128xf32, #tpu.memory_space<hbm>>
      tpu.wait_indirect_dma semaphore(%arg11 : memref<!tpu.dma_semaphore, #tpu.memory_space<semaphore_mem>>) src(%dma_wait3A_36 : memref<10240x128xf32, #tpu.memory_space<hbm>>) dst(%arg9 : memref<128x128xf32, #tpu.memory_space<vmem>>)
      "tpu.region"() ({
        %run_scoped3A = tpu.sem_alloc : memref<!tpu.dma_semaphore, #tpu.memory_space<semaphore_mem>>
        %dma_start3A_37 = arith.constant 0 : i32
        %dma_start3A_38 = tpu.memref_slice %arg8[%add3A_26, %dma_start3A_37] : memref<79x128xi32, #tpu.memory_space<vmem>> -> memref<1x128xi32, #tpu.memory_space<vmem>>
        %dma_start3A_39 = tpu.memref_squeeze %dma_start3A_38 : memref<1x128xi32, #tpu.memory_space<vmem>> -> memref<128xi32, #tpu.memory_space<vmem>>
        %dma_start3A_40 = arith.constant 0 : i32
        %dma_start3A_41 = arith.constant 0 : i32
        %dma_start3A_42 = tpu.memref_slice %arg10[%dma_start3A_40, %dma_start3A_41] : memref<10240x128xf32, #tpu.memory_space<vmem_shared>> -> memref<10240x128xf32, #tpu.memory_space<vmem_shared>>
        tpu.enqueue_indirect_dma source(%arg9 : memref<128x128xf32, #tpu.memory_space<vmem>>) target(%dma_start3A_42 : memref<10240x128xf32, #tpu.memory_space<vmem_shared>>) offsets(%dma_start3A_39 : memref<128xi32, #tpu.memory_space<vmem>>) semaphore(%run_scoped3A : memref<!tpu.dma_semaphore, #tpu.memory_space<semaphore_mem>>) {add = true}
        %dma_wait3A_43 = arith.constant 0 : i32
        %dma_wait3A_44 = tpu.memref_slice %arg8[%add3A_26, %dma_wait3A_43] : memref<79x128xi32, #tpu.memory_space<vmem>> -> memref<1x128xi32, #tpu.memory_space<vmem>>
        %dma_wait3A_45 = tpu.memref_squeeze %dma_wait3A_44 : memref<1x128xi32, #tpu.memory_space<vmem>> -> memref<128xi32, #tpu.memory_space<vmem>>
        %dma_wait3A_46 = arith.constant 0 : i32
        %dma_wait3A_47 = arith.constant 0 : i32
        %dma_wait3A_48 = tpu.memref_slice %arg10[%dma_wait3A_46, %dma_wait3A_47] : memref<10240x128xf32, #tpu.memory_space<vmem_shared>> -> memref<10240x128xf32, #tpu.memory_space<vmem_shared>>
        tpu.wait_indirect_dma semaphore(%run_scoped3A : memref<!tpu.dma_semaphore, #tpu.memory_space<semaphore_mem>>) src(%arg9 : memref<128x128xf32, #tpu.memory_space<vmem>>) dst(%dma_wait3A_48 : memref<10240x128xf32, #tpu.memory_space<vmem_shared>>)
        tpu.yield
      }) : () -> ()
    }
    %while3A_19 = arith.constant 1 : i32
    scf.for %while3A_24 = %while3A_17 to %while3A_13 step %while3A_19  : i32 {
      %mul3A_25 = arith.muli %while3A_24, %while3A : i32
      %add3A_26 = arith.addi %while3A_10, %mul3A_25 : i32
      %dma_start3A = arith.constant 0 : i32
      %dma_start3A_27 = tpu.memref_slice %arg7[%add3A_26, %dma_start3A] : memref<79x128xi32, #tpu.memory_space<vmem>> -> memref<1x128xi32, #tpu.memory_space<vmem>>
      %dma_start3A_28 = tpu.memref_squeeze %dma_start3A_27 : memref<1x128xi32, #tpu.memory_space<vmem>> -> memref<128xi32, #tpu.memory_space<vmem>>
      %dma_start3A_29 = arith.constant 0 : i32
      %dma_start3A_30 = arith.constant 0 : i32
      %dma_start3A_31 = tpu.memref_slice %arg2[%dma_start3A_29, %dma_start3A_30] : memref<10240x128xf32, #tpu.memory_space<hbm>> -> memref<10240x128xf32, #tpu.memory_space<hbm>>
      tpu.enqueue_indirect_dma source(%dma_start3A_31 : memref<10240x128xf32, #tpu.memory_space<hbm>>) target(%arg9 : memref<128x128xf32, #tpu.memory_space<vmem>>) offsets(%dma_start3A_28 : memref<128xi32, #tpu.memory_space<vmem>>) semaphore(%arg11 : memref<!tpu.dma_semaphore, #tpu.memory_space<semaphore_mem>>)
      %dma_wait3A = arith.constant 0 : i32
      %dma_wait3A_32 = tpu.memref_slice %arg7[%add3A_26, %dma_wait3A] : memref<79x128xi32, #tpu.memory_space<vmem>> -> memref<1x128xi32, #tpu.memory_space<vmem>>
      %dma_wait3A_33 = tpu.memref_squeeze %dma_wait3A_32 : memref<1x128xi32, #tpu.memory_space<vmem>> -> memref<128xi32, #tpu.memory_space<vmem>>
      %dma_wait3A_34 = arith.constant 0 : i32
      %dma_wait3A_35 = arith.constant 0 : i32
      %dma_wait3A_36 = tpu.memref_slice %arg2[%dma_wait3A_34, %dma_wait3A_35] : memref<10240x128xf32, #tpu.memory_space<hbm>> -> memref<10240x128xf32, #tpu.memory_space<hbm>>
      tpu.wait_indirect_dma semaphore(%arg11 : memref<!tpu.dma_semaphore, #tpu.memory_space<semaphore_mem>>) src(%dma_wait3A_36 : memref<10240x128xf32, #tpu.memory_space<hbm>>) dst(%arg9 : memref<128x128xf32, #tpu.memory_space<vmem>>)
      "tpu.region"() ({
        %run_scoped3A = tpu.sem_alloc : memref<!tpu.dma_semaphore, #tpu.memory_space<semaphore_mem>>
        %dma_start3A_37 = arith.constant 0 : i32
        %dma_start3A_38 = tpu.memref_slice %arg8[%add3A_26, %dma_start3A_37] : memref<79x128xi32, #tpu.memory_space<vmem>> -> memref<1x128xi32, #tpu.memory_space<vmem>>
        %dma_start3A_39 = tpu.memref_squeeze %dma_start3A_38 : memref<1x128xi32, #tpu.memory_space<vmem>> -> memref<128xi32, #tpu.memory_space<vmem>>
        %dma_start3A_40 = arith.constant 0 : i32
        %dma_start3A_41 = arith.constant 0 : i32
        %dma_start3A_42 = tpu.memref_slice %arg10[%dma_start3A_40, %dma_start3A_41] : memref<10240x128xf32, #tpu.memory_space<vmem_shared>> -> memref<10240x128xf32, #tpu.memory_space<vmem_shared>>
        tpu.enqueue_indirect_dma source(%arg9 : memref<128x128xf32, #tpu.memory_space<vmem>>) target(%dma_start3A_42 : memref<10240x128xf32, #tpu.memory_space<vmem_shared>>) offsets(%dma_start3A_39 : memref<128xi32, #tpu.memory_space<vmem>>) semaphore(%run_scoped3A : memref<!tpu.dma_semaphore, #tpu.memory_space<semaphore_mem>>) {add = true}
        %dma_wait3A_43 = arith.constant 0 : i32
        %dma_wait3A_44 = tpu.memref_slice %arg8[%add3A_26, %dma_wait3A_43] : memref<79x128xi32, #tpu.memory_space<vmem>> -> memref<1x128xi32, #tpu.memory_space<vmem>>
        %dma_wait3A_45 = tpu.memref_squeeze %dma_wait3A_44 : memref<1x128xi32, #tpu.memory_space<vmem>> -> memref<128xi32, #tpu.memory_space<vmem>>
        %dma_wait3A_46 = arith.constant 0 : i32
        %dma_wait3A_47 = arith.constant 0 : i32
        %dma_wait3A_48 = tpu.memref_slice %arg10[%dma_wait3A_46, %dma_wait3A_47] : memref<10240x128xf32, #tpu.memory_space<vmem_shared>> -> memref<10240x128xf32, #tpu.memory_space<vmem_shared>>
        tpu.wait_indirect_dma semaphore(%run_scoped3A : memref<!tpu.dma_semaphore, #tpu.memory_space<semaphore_mem>>) src(%arg9 : memref<128x128xf32, #tpu.memory_space<vmem>>) dst(%dma_wait3A_48 : memref<10240x128xf32, #tpu.memory_space<vmem_shared>>)
        tpu.yield
      }) : () -> ()
    }
    %barrier3A_20 = arith.constant 0 : index
    tpu.barrier barrier_id(%barrier3A_20)
    %mul3A_21 = arith.constant 10240 : i32
    %mul3A_22 = arith.muli %arg0, %mul3A_21 : i32
    %add3A_23 = arith.addi %mul3A_22, %mul3A_2 : i32
    "tpu.region"() ({
      %run_scoped3A = tpu.sem_alloc : memref<!tpu.dma_semaphore, #tpu.memory_space<semaphore_mem>>
      %dma_start3A = arith.constant 0 : i32
      %dma_start3A_24 = tpu.memref_slice %arg6[%add3A_23, %dma_start3A] : memref<20480x128xf32, #tpu.memory_space<hbm>> -> memref<640x128xf32, #tpu.memory_space<hbm>>
      %dma_start3A_25 = arith.constant 0 : i32
      %dma_start3A_26 = tpu.memref_slice %arg10[%mul3A_2, %dma_start3A_25] : memref<10240x128xf32, #tpu.memory_space<vmem_shared>> -> memref<640x128xf32, #tpu.memory_space<vmem_shared>>
      tpu.enqueue_dma source(%dma_start3A_26 : memref<640x128xf32, #tpu.memory_space<vmem_shared>>) target(%dma_start3A_24 : memref<640x128xf32, #tpu.memory_space<hbm>>) target_semaphore(%run_scoped3A : memref<!tpu.dma_semaphore, #tpu.memory_space<semaphore_mem>>)
      %dma_wait3A = arith.constant 0 : i32
      %dma_wait3A_27 = tpu.memref_slice %arg6[%add3A_23, %dma_wait3A] : memref<20480x128xf32, #tpu.memory_space<hbm>> -> memref<640x128xf32, #tpu.memory_space<hbm>>
      %dma_wait3A_28 = arith.constant 0 : i32
      %dma_wait3A_29 = tpu.memref_slice %arg10[%mul3A_2, %dma_wait3A_28] : memref<10240x128xf32, #tpu.memory_space<vmem_shared>> -> memref<640x128xf32, #tpu.memory_space<vmem_shared>>
      tpu.wait_dma2 semaphore(%run_scoped3A : memref<!tpu.dma_semaphore, #tpu.memory_space<semaphore_mem>>) src(%dma_wait3A_29 : memref<640x128xf32, #tpu.memory_space<vmem_shared>>) dst(%dma_wait3A_27 : memref<640x128xf32, #tpu.memory_space<hbm>>)
      tpu.yield
    }) : () -> ()
    return
  }
}

#map = affine_map<(d0, d1) -> (0, 0)>
#map1 = affine_map<(d0, d1) -> (0, 0, 0)>
module attributes {stable_mosaic.version = 14 : i64} {
  func.func @_sc_scatter(%arg0: i32, %arg1: i32, %arg2: memref<10240x128xf32, #tpu.memory_space<hbm>>, %arg3: memref<32x79x128xi32, #tpu.memory_space<hbm>>, %arg4: memref<32x79x128xi32, #tpu.memory_space<hbm>>, %arg5: memref<10240x128xf32, #tpu.memory_space<hbm>>, %arg6: memref<20480x128xf32, #tpu.memory_space<hbm>>, %arg7: memref<79x128xi32, #tpu.memory_space<vmem>>, %arg8: memref<79x128xi32, #tpu.memory_space<vmem>>, %arg9: memref<128x128xf32, #tpu.memory_space<vmem>>, %arg10: memref<10240x128xf32, #tpu.memory_space<vmem_shared>>, %arg11: memref<!tpu.dma_semaphore, #tpu.memory_space<semaphore_mem>>) attributes {dimension_semantics = [#tpu.dimension_semantics<core_parallel>, #tpu.dimension_semantics<subcore_parallel>], iteration_bounds = array<i64: 2, 16>, scalar_prefetch = 0 : i64, scratch_operands = 5 : i64, tpu.core_type = #tpu.core_type<sc_vector_subcore>, window_params = [{transform_indices = #map}, {transform_indices = #map1}, {transform_indices = #map1}, {transform_indices = #map}, {transform_indices = #map}]} {
    %mul3A = arith.constant 16 : i32
    %mul3A_0 = arith.muli %arg0, %mul3A : i32
    %add3A = arith.addi %mul3A_0, %arg1 : i32
    %mul3A_1 = arith.constant 640 : i32
    %mul3A_2 = arith.muli %arg1, %mul3A_1 : i32
    "tpu.region"() ({
      %run_scoped3A = tpu.sem_alloc : memref<!tpu.dma_semaphore, #tpu.memory_space<semaphore_mem>>
      %dma_start3A = arith.constant 0 : i32
      %dma_start3A_24 = tpu.memref_slice %arg10[%mul3A_2, %dma_start3A] : memref<10240x128xf32, #tpu.memory_space<vmem_shared>> -> memref<640x128xf32, #tpu.memory_space<vmem_shared>>
      %dma_start3A_25 = arith.constant 0 : i32
      %dma_start3A_26 = tpu.memref_slice %arg5[%mul3A_2, %dma_start3A_25] : memref<10240x128xf32, #tpu.memory_space<hbm>> -> memref<640x128xf32, #tpu.memory_space<hbm>>
      tpu.enqueue_dma source(%dma_start3A_26 : memref<640x128xf32, #tpu.memory_space<hbm>>) target(%dma_start3A_24 : memref<640x128xf32, #tpu.memory_space<vmem_shared>>) target_semaphore(%run_scoped3A : memref<!tpu.dma_semaphore, #tpu.memory_space<semaphore_mem>>)
      %dma_wait3A = arith.constant 0 : i32
      %dma_wait3A_27 = tpu.memref_slice %arg10[%mul3A_2, %dma_wait3A] : memref<10240x128xf32, #tpu.memory_space<vmem_shared>> -> memref<640x128xf32, #tpu.memory_space<vmem_shared>>
      %dma_wait3A_28 = arith.constant 0 : i32
      %dma_wait3A_29 = tpu.memref_slice %arg5[%mul3A_2, %dma_wait3A_28] : memref<10240x128xf32, #tpu.memory_space<hbm>> -> memref<640x128xf32, #tpu.memory_space<hbm>>
      tpu.wait_dma2 semaphore(%run_scoped3A : memref<!tpu.dma_semaphore, #tpu.memory_space<semaphore_mem>>) src(%dma_wait3A_29 : memref<640x128xf32, #tpu.memory_space<hbm>>) dst(%dma_wait3A_27 : memref<640x128xf32, #tpu.memory_space<vmem_shared>>)
      tpu.yield
    }) : () -> ()
    "tpu.region"() ({
      %run_scoped3A = tpu.sem_alloc : memref<!tpu.dma_semaphore, #tpu.memory_space<semaphore_mem>>
      %dma_start3A = arith.constant 0 : i32
      %dma_start3A_24 = arith.constant 0 : i32
      %dma_start3A_25 = tpu.memref_slice %arg3[%add3A, %dma_start3A, %dma_start3A_24] : memref<32x79x128xi32, #tpu.memory_space<hbm>> -> memref<1x79x128xi32, #tpu.memory_space<hbm>>
      %dma_start3A_26 = tpu.memref_squeeze %dma_start3A_25 : memref<1x79x128xi32, #tpu.memory_space<hbm>> -> memref<79x128xi32, #tpu.memory_space<hbm>>
      %dma_start3A_27 = arith.constant 0 : i32
      %dma_start3A_28 = arith.constant 0 : i32
      %dma_start3A_29 = tpu.memref_slice %arg3[%add3A, %dma_start3A_27, %dma_start3A_28] : memref<32x79x128xi32, #tpu.memory_space<hbm>> -> memref<1x79x128xi32, #tpu.memory_space<hbm>>
      %dma_start3A_30 = tpu.memref_squeeze %dma_start3A_29 : memref<1x79x128xi32, #tpu.memory_space<hbm>> -> memref<79x128xi32, #tpu.memory_space<hbm>>
      tpu.enqueue_dma source(%dma_start3A_30 : memref<79x128xi32, #tpu.memory_space<hbm>>) target(%arg7 : memref<79x128xi32, #tpu.memory_space<vmem>>) target_semaphore(%run_scoped3A : memref<!tpu.dma_semaphore, #tpu.memory_space<semaphore_mem>>)
      %dma_wait3A = arith.constant 0 : i32
      %dma_wait3A_31 = arith.constant 0 : i32
      %dma_wait3A_32 = tpu.memref_slice %arg3[%add3A, %dma_wait3A, %dma_wait3A_31] : memref<32x79x128xi32, #tpu.memory_space<hbm>> -> memref<1x79x128xi32, #tpu.memory_space<hbm>>
      %dma_wait3A_33 = tpu.memref_squeeze %dma_wait3A_32 : memref<1x79x128xi32, #tpu.memory_space<hbm>> -> memref<79x128xi32, #tpu.memory_space<hbm>>
      %dma_wait3A_34 = arith.constant 0 : i32
      %dma_wait3A_35 = arith.constant 0 : i32
      %dma_wait3A_36 = tpu.memref_slice %arg3[%add3A, %dma_wait3A_34, %dma_wait3A_35] : memref<32x79x128xi32, #tpu.memory_space<hbm>> -> memref<1x79x128xi32, #tpu.memory_space<hbm>>
      %dma_wait3A_37 = tpu.memref_squeeze %dma_wait3A_36 : memref<1x79x128xi32, #tpu.memory_space<hbm>> -> memref<79x128xi32, #tpu.memory_space<hbm>>
      tpu.wait_dma2 semaphore(%run_scoped3A : memref<!tpu.dma_semaphore, #tpu.memory_space<semaphore_mem>>) src(%dma_wait3A_37 : memref<79x128xi32, #tpu.memory_space<hbm>>) dst(%arg7 : memref<79x128xi32, #tpu.memory_space<vmem>>)
      tpu.yield
    }) : () -> ()
    "tpu.region"() ({
      %run_scoped3A = tpu.sem_alloc : memref<!tpu.dma_semaphore, #tpu.memory_space<semaphore_mem>>
      %dma_start3A = arith.constant 0 : i32
      %dma_start3A_24 = arith.constant 0 : i32
      %dma_start3A_25 = tpu.memref_slice %arg4[%add3A, %dma_start3A, %dma_start3A_24] : memref<32x79x128xi32, #tpu.memory_space<hbm>> -> memref<1x79x128xi32, #tpu.memory_space<hbm>>
      %dma_start3A_26 = tpu.memref_squeeze %dma_start3A_25 : memref<1x79x128xi32, #tpu.memory_space<hbm>> -> memref<79x128xi32, #tpu.memory_space<hbm>>
      %dma_start3A_27 = arith.constant 0 : i32
      %dma_start3A_28 = arith.constant 0 : i32
      %dma_start3A_29 = tpu.memref_slice %arg4[%add3A, %dma_start3A_27, %dma_start3A_28] : memref<32x79x128xi32, #tpu.memory_space<hbm>> -> memref<1x79x128xi32, #tpu.memory_space<hbm>>
      %dma_start3A_30 = tpu.memref_squeeze %dma_start3A_29 : memref<1x79x128xi32, #tpu.memory_space<hbm>> -> memref<79x128xi32, #tpu.memory_space<hbm>>
      tpu.enqueue_dma source(%dma_start3A_30 : memref<79x128xi32, #tpu.memory_space<hbm>>) target(%arg8 : memref<79x128xi32, #tpu.memory_space<vmem>>) target_semaphore(%run_scoped3A : memref<!tpu.dma_semaphore, #tpu.memory_space<semaphore_mem>>)
      %dma_wait3A = arith.constant 0 : i32
      %dma_wait3A_31 = arith.constant 0 : i32
      %dma_wait3A_32 = tpu.memref_slice %arg4[%add3A, %dma_wait3A, %dma_wait3A_31] : memref<32x79x128xi32, #tpu.memory_space<hbm>> -> memref<1x79x128xi32, #tpu.memory_space<hbm>>
      %dma_wait3A_33 = tpu.memref_squeeze %dma_wait3A_32 : memref<1x79x128xi32, #tpu.memory_space<hbm>> -> memref<79x128xi32, #tpu.memory_space<hbm>>
      %dma_wait3A_34 = arith.constant 0 : i32
      %dma_wait3A_35 = arith.constant 0 : i32
      %dma_wait3A_36 = tpu.memref_slice %arg4[%add3A, %dma_wait3A_34, %dma_wait3A_35] : memref<32x79x128xi32, #tpu.memory_space<hbm>> -> memref<1x79x128xi32, #tpu.memory_space<hbm>>
      %dma_wait3A_37 = tpu.memref_squeeze %dma_wait3A_36 : memref<1x79x128xi32, #tpu.memory_space<hbm>> -> memref<79x128xi32, #tpu.memory_space<hbm>>
      tpu.wait_dma2 semaphore(%run_scoped3A : memref<!tpu.dma_semaphore, #tpu.memory_space<semaphore_mem>>) src(%dma_wait3A_37 : memref<79x128xi32, #tpu.memory_space<hbm>>) dst(%arg8 : memref<79x128xi32, #tpu.memory_space<vmem>>)
      tpu.yield
    }) : () -> ()
    %barrier3A = arith.constant 0 : index
    tpu.barrier barrier_id(%barrier3A)
    %sub3A = arith.constant 79 : i32
    %sub3A_3 = arith.constant 0 : i32
    %sub3A_4 = arith.subi %sub3A, %sub3A_3 : i32
    %sub3A_5 = arith.constant 1 : i32
    %sub3A_6 = arith.constant 1 : i32
    %sub3A_7 = arith.subi %sub3A_5, %sub3A_6 : i32
    %add3A_8 = arith.addi %sub3A_4, %sub3A_7 : i32
    %div3A = arith.constant 1 : i32
    %div3A_9 = arith.divsi %add3A_8, %div3A : i32
    %while3A = arith.constant 1 : i32
    %while3A_10 = arith.constant 0 : i32
    %while3A_11 = arith.constant 0 : i32
    %while3A_12 = arith.subi %div3A_9, %while3A_11 : i32
    %while3A_13 = arith.addi %while3A_11, %while3A_12 : i32
    %while3A_14 = arith.constant 1 : i32
    %while3A_15 = arith.divsi %while3A_12, %while3A_14 : i32
    %while3A_16 = arith.muli %while3A_15, %while3A_14 : i32
    %while3A_17 = arith.addi %while3A_11, %while3A_16 : i32
    %while3A_18 = arith.constant 1 : i32
    scf.for %while3A_24 = %while3A_11 to %while3A_17 step %while3A_18  : i32 {
      %mul3A_25 = arith.muli %while3A_24, %while3A : i32
      %add3A_26 = arith.addi %while3A_10, %mul3A_25 : i32
      %dma_start3A = arith.constant 0 : i32
      %dma_start3A_27 = tpu.memref_slice %arg7[%add3A_26, %dma_start3A] : memref<79x128xi32, #tpu.memory_space<vmem>> -> memref<1x128xi32, #tpu.memory_space<vmem>>
      %dma_start3A_28 = tpu.memref_squeeze %dma_start3A_27 : memref<1x128xi32, #tpu.memory_space<vmem>> -> memref<128xi32, #tpu.memory_space<vmem>>
      %dma_start3A_29 = arith.constant 0 : i32
      %dma_start3A_30 = arith.constant 0 : i32
      %dma_start3A_31 = tpu.memref_slice %arg2[%dma_start3A_29, %dma_start3A_30] : memref<10240x128xf32, #tpu.memory_space<hbm>> -> memref<10240x128xf32, #tpu.memory_space<hbm>>
      tpu.enqueue_indirect_dma source(%dma_start3A_31 : memref<10240x128xf32, #tpu.memory_space<hbm>>) target(%arg9 : memref<128x128xf32, #tpu.memory_space<vmem>>) offsets(%dma_start3A_28 : memref<128xi32, #tpu.memory_space<vmem>>) semaphore(%arg11 : memref<!tpu.dma_semaphore, #tpu.memory_space<semaphore_mem>>)
      %dma_wait3A = arith.constant 0 : i32
      %dma_wait3A_32 = tpu.memref_slice %arg7[%add3A_26, %dma_wait3A] : memref<79x128xi32, #tpu.memory_space<vmem>> -> memref<1x128xi32, #tpu.memory_space<vmem>>
      %dma_wait3A_33 = tpu.memref_squeeze %dma_wait3A_32 : memref<1x128xi32, #tpu.memory_space<vmem>> -> memref<128xi32, #tpu.memory_space<vmem>>
      %dma_wait3A_34 = arith.constant 0 : i32
      %dma_wait3A_35 = arith.constant 0 : i32
      %dma_wait3A_36 = tpu.memref_slice %arg2[%dma_wait3A_34, %dma_wait3A_35] : memref<10240x128xf32, #tpu.memory_space<hbm>> -> memref<10240x128xf32, #tpu.memory_space<hbm>>
      tpu.wait_indirect_dma semaphore(%arg11 : memref<!tpu.dma_semaphore, #tpu.memory_space<semaphore_mem>>) src(%dma_wait3A_36 : memref<10240x128xf32, #tpu.memory_space<hbm>>) dst(%arg9 : memref<128x128xf32, #tpu.memory_space<vmem>>)
      "tpu.region"() ({
        %run_scoped3A = tpu.sem_alloc : memref<!tpu.dma_semaphore, #tpu.memory_space<semaphore_mem>>
        %dma_start3A_37 = arith.constant 0 : i32
        %dma_start3A_38 = tpu.memref_slice %arg8[%add3A_26, %dma_start3A_37] : memref<79x128xi32, #tpu.memory_space<vmem>> -> memref<1x128xi32, #tpu.memory_space<vmem>>
        %dma_start3A_39 = tpu.memref_squeeze %dma_start3A_38 : memref<1x128xi32, #tpu.memory_space<vmem>> -> memref<128xi32, #tpu.memory_space<vmem>>
        %dma_start3A_40 = arith.constant 0 : i32
        %dma_start3A_41 = arith.constant 0 : i32
        %dma_start3A_42 = tpu.memref_slice %arg10[%dma_start3A_40, %dma_start3A_41] : memref<10240x128xf32, #tpu.memory_space<vmem_shared>> -> memref<10240x128xf32, #tpu.memory_space<vmem_shared>>
        tpu.enqueue_indirect_dma source(%arg9 : memref<128x128xf32, #tpu.memory_space<vmem>>) target(%dma_start3A_42 : memref<10240x128xf32, #tpu.memory_space<vmem_shared>>) offsets(%dma_start3A_39 : memref<128xi32, #tpu.memory_space<vmem>>) semaphore(%run_scoped3A : memref<!tpu.dma_semaphore, #tpu.memory_space<semaphore_mem>>) {add = true}
        %dma_wait3A_43 = arith.constant 0 : i32
        %dma_wait3A_44 = tpu.memref_slice %arg8[%add3A_26, %dma_wait3A_43] : memref<79x128xi32, #tpu.memory_space<vmem>> -> memref<1x128xi32, #tpu.memory_space<vmem>>
        %dma_wait3A_45 = tpu.memref_squeeze %dma_wait3A_44 : memref<1x128xi32, #tpu.memory_space<vmem>> -> memref<128xi32, #tpu.memory_space<vmem>>
        %dma_wait3A_46 = arith.constant 0 : i32
        %dma_wait3A_47 = arith.constant 0 : i32
        %dma_wait3A_48 = tpu.memref_slice %arg10[%dma_wait3A_46, %dma_wait3A_47] : memref<10240x128xf32, #tpu.memory_space<vmem_shared>> -> memref<10240x128xf32, #tpu.memory_space<vmem_shared>>
        tpu.wait_indirect_dma semaphore(%run_scoped3A : memref<!tpu.dma_semaphore, #tpu.memory_space<semaphore_mem>>) src(%arg9 : memref<128x128xf32, #tpu.memory_space<vmem>>) dst(%dma_wait3A_48 : memref<10240x128xf32, #tpu.memory_space<vmem_shared>>)
        tpu.yield
      }) : () -> ()
    }
    %while3A_19 = arith.constant 1 : i32
    scf.for %while3A_24 = %while3A_17 to %while3A_13 step %while3A_19  : i32 {
      %mul3A_25 = arith.muli %while3A_24, %while3A : i32
      %add3A_26 = arith.addi %while3A_10, %mul3A_25 : i32
      %dma_start3A = arith.constant 0 : i32
      %dma_start3A_27 = tpu.memref_slice %arg7[%add3A_26, %dma_start3A] : memref<79x128xi32, #tpu.memory_space<vmem>> -> memref<1x128xi32, #tpu.memory_space<vmem>>
      %dma_start3A_28 = tpu.memref_squeeze %dma_start3A_27 : memref<1x128xi32, #tpu.memory_space<vmem>> -> memref<128xi32, #tpu.memory_space<vmem>>
      %dma_start3A_29 = arith.constant 0 : i32
      %dma_start3A_30 = arith.constant 0 : i32
      %dma_start3A_31 = tpu.memref_slice %arg2[%dma_start3A_29, %dma_start3A_30] : memref<10240x128xf32, #tpu.memory_space<hbm>> -> memref<10240x128xf32, #tpu.memory_space<hbm>>
      tpu.enqueue_indirect_dma source(%dma_start3A_31 : memref<10240x128xf32, #tpu.memory_space<hbm>>) target(%arg9 : memref<128x128xf32, #tpu.memory_space<vmem>>) offsets(%dma_start3A_28 : memref<128xi32, #tpu.memory_space<vmem>>) semaphore(%arg11 : memref<!tpu.dma_semaphore, #tpu.memory_space<semaphore_mem>>)
      %dma_wait3A = arith.constant 0 : i32
      %dma_wait3A_32 = tpu.memref_slice %arg7[%add3A_26, %dma_wait3A] : memref<79x128xi32, #tpu.memory_space<vmem>> -> memref<1x128xi32, #tpu.memory_space<vmem>>
      %dma_wait3A_33 = tpu.memref_squeeze %dma_wait3A_32 : memref<1x128xi32, #tpu.memory_space<vmem>> -> memref<128xi32, #tpu.memory_space<vmem>>
      %dma_wait3A_34 = arith.constant 0 : i32
      %dma_wait3A_35 = arith.constant 0 : i32
      %dma_wait3A_36 = tpu.memref_slice %arg2[%dma_wait3A_34, %dma_wait3A_35] : memref<10240x128xf32, #tpu.memory_space<hbm>> -> memref<10240x128xf32, #tpu.memory_space<hbm>>
      tpu.wait_indirect_dma semaphore(%arg11 : memref<!tpu.dma_semaphore, #tpu.memory_space<semaphore_mem>>) src(%dma_wait3A_36 : memref<10240x128xf32, #tpu.memory_space<hbm>>) dst(%arg9 : memref<128x128xf32, #tpu.memory_space<vmem>>)
      "tpu.region"() ({
        %run_scoped3A = tpu.sem_alloc : memref<!tpu.dma_semaphore, #tpu.memory_space<semaphore_mem>>
        %dma_start3A_37 = arith.constant 0 : i32
        %dma_start3A_38 = tpu.memref_slice %arg8[%add3A_26, %dma_start3A_37] : memref<79x128xi32, #tpu.memory_space<vmem>> -> memref<1x128xi32, #tpu.memory_space<vmem>>
        %dma_start3A_39 = tpu.memref_squeeze %dma_start3A_38 : memref<1x128xi32, #tpu.memory_space<vmem>> -> memref<128xi32, #tpu.memory_space<vmem>>
        %dma_start3A_40 = arith.constant 0 : i32
        %dma_start3A_41 = arith.constant 0 : i32
        %dma_start3A_42 = tpu.memref_slice %arg10[%dma_start3A_40, %dma_start3A_41] : memref<10240x128xf32, #tpu.memory_space<vmem_shared>> -> memref<10240x128xf32, #tpu.memory_space<vmem_shared>>
        tpu.enqueue_indirect_dma source(%arg9 : memref<128x128xf32, #tpu.memory_space<vmem>>) target(%dma_start3A_42 : memref<10240x128xf32, #tpu.memory_space<vmem_shared>>) offsets(%dma_start3A_39 : memref<128xi32, #tpu.memory_space<vmem>>) semaphore(%run_scoped3A : memref<!tpu.dma_semaphore, #tpu.memory_space<semaphore_mem>>) {add = true}
        %dma_wait3A_43 = arith.constant 0 : i32
        %dma_wait3A_44 = tpu.memref_slice %arg8[%add3A_26, %dma_wait3A_43] : memref<79x128xi32, #tpu.memory_space<vmem>> -> memref<1x128xi32, #tpu.memory_space<vmem>>
        %dma_wait3A_45 = tpu.memref_squeeze %dma_wait3A_44 : memref<1x128xi32, #tpu.memory_space<vmem>> -> memref<128xi32, #tpu.memory_space<vmem>>
        %dma_wait3A_46 = arith.constant 0 : i32
        %dma_wait3A_47 = arith.constant 0 : i32
        %dma_wait3A_48 = tpu.memref_slice %arg10[%dma_wait3A_46, %dma_wait3A_47] : memref<10240x128xf32, #tpu.memory_space<vmem_shared>> -> memref<10240x128xf32, #tpu.memory_space<vmem_shared>>
        tpu.wait_indirect_dma semaphore(%run_scoped3A : memref<!tpu.dma_semaphore, #tpu.memory_space<semaphore_mem>>) src(%arg9 : memref<128x128xf32, #tpu.memory_space<vmem>>) dst(%dma_wait3A_48 : memref<10240x128xf32, #tpu.memory_space<vmem_shared>>)
        tpu.yield
      }) : () -> ()
    }
    %barrier3A_20 = arith.constant 0 : index
    tpu.barrier barrier_id(%barrier3A_20)
    %mul3A_21 = arith.constant 10240 : i32
    %mul3A_22 = arith.muli %arg0, %mul3A_21 : i32
    %add3A_23 = arith.addi %mul3A_22, %mul3A_2 : i32
    "tpu.region"() ({
      %run_scoped3A = tpu.sem_alloc : memref<!tpu.dma_semaphore, #tpu.memory_space<semaphore_mem>>
      %dma_start3A = arith.constant 0 : i32
      %dma_start3A_24 = tpu.memref_slice %arg6[%add3A_23, %dma_start3A] : memref<20480x128xf32, #tpu.memory_space<hbm>> -> memref<640x128xf32, #tpu.memory_space<hbm>>
      %dma_start3A_25 = arith.constant 0 : i32
      %dma_start3A_26 = tpu.memref_slice %arg10[%mul3A_2, %dma_start3A_25] : memref<10240x128xf32, #tpu.memory_space<vmem_shared>> -> memref<640x128xf32, #tpu.memory_space<vmem_shared>>
      tpu.enqueue_dma source(%dma_start3A_26 : memref<640x128xf32, #tpu.memory_space<vmem_shared>>) target(%dma_start3A_24 : memref<640x128xf32, #tpu.memory_space<hbm>>) target_semaphore(%run_scoped3A : memref<!tpu.dma_semaphore, #tpu.memory_space<semaphore_mem>>)
      %dma_wait3A = arith.constant 0 : i32
      %dma_wait3A_27 = tpu.memref_slice %arg6[%add3A_23, %dma_wait3A] : memref<20480x128xf32, #tpu.memory_space<hbm>> -> memref<640x128xf32, #tpu.memory_space<hbm>>
      %dma_wait3A_28 = arith.constant 0 : i32
      %dma_wait3A_29 = tpu.memref_slice %arg10[%mul3A_2, %dma_wait3A_28] : memref<10240x128xf32, #tpu.memory_space<vmem_shared>> -> memref<640x128xf32, #tpu.memory_space<vmem_shared>>
      tpu.wait_dma2 semaphore(%run_scoped3A : memref<!tpu.dma_semaphore, #tpu.memory_space<semaphore_mem>>) src(%dma_wait3A_29 : memref<640x128xf32, #tpu.memory_space<vmem_shared>>) dst(%dma_wait3A_27 : memref<640x128xf32, #tpu.memory_space<hbm>>)
      tpu.yield
    }) : () -> ()
    return
  }
}

module attributes {stable_mosaic.version = 14 : i64} {
  func.func @_prep_body(%arg0: i32, %arg1: memref<1024x128xf32, #tpu.memory_space<vmem>>, %arg2: memref<1024x128xf32, #tpu.memory_space<vmem>>, %arg3: memref<1024x128xf32, #tpu.memory_space<vmem>>, %arg4: memref<1024x128xf32, #tpu.memory_space<vmem>>, %arg5: memref<1024x128xf32, #tpu.memory_space<vmem>>, %arg6: memref<1024x128xf32, #tpu.memory_space<vmem>>) attributes {dimension_semantics = [#tpu.dimension_semantics<arbitrary>], iteration_bounds = array<i64: 10>, scalar_prefetch = 0 : i64, scratch_operands = 0 : i64, tpu.core_type = #tpu.core_type<tc>, window_params = [{transform_indices = @transform_0, window_bounds = array<i64: 1024, 128>}, {transform_indices = @transform_1, window_bounds = array<i64: 1024, 128>}, {transform_indices = @transform_2, window_bounds = array<i64: 1024, 128>}, {transform_indices = @transform_3, window_bounds = array<i64: 1024, 128>}, {transform_indices = @transform_4, window_bounds = array<i64: 1024, 128>}, {transform_indices = @transform_5, window_bounds = array<i64: 1024, 128>}]} {
    %get3A = arith.constant 0 : index
    %get3A_0 = arith.constant 0 : index
    %get3A_1 = vector.load %arg2[%get3A, %get3A_0] : memref<1024x128xf32, #tpu.memory_space<vmem>>, vector<1024x1xf32>
    %get3A_2 = arith.constant 0 : index
    %get3A_3 = arith.constant 0 : index
    %get3A_4 = vector.load %arg3[%get3A_2, %get3A_3] : memref<1024x128xf32, #tpu.memory_space<vmem>>, vector<1024x1xf32>
    %gt3A = arith.constant 0.000000e+00 : f32
    %gt3A_5 = vector.broadcast %gt3A : f32 to vector<1024x1xf32>
    %gt3A_6 = arith.cmpf ogt, %get3A_1, %gt3A_5 : vector<1024x1xf32>
    %max3A = arith.constant 9.99999996E-13 : f32
    %max3A_7 = vector.broadcast %max3A : f32 to vector<1024x1xf32>
    %max3A_8 = arith.maximumf %get3A_1, %max3A_7 : vector<1024x1xf32>
    %rsqrt3A = math.rsqrt %max3A_8 : vector<1024x1xf32>
    %jit3A = arith.constant 0.000000e+00 : f64
    %convert_element_type3A = arith.truncf %jit3A : f64 to f32
    %broadcast_in_dim3A = vector.broadcast %convert_element_type3A : f32 to vector<1024x1xf32>
    %select_n3A = arith.select %gt3A_6, %rsqrt3A, %broadcast_in_dim3A : vector<1024x1xi1>, vector<1024x1xf32>
    %gt3A_9 = arith.constant 0.000000e+00 : f32
    %gt3A_10 = vector.broadcast %gt3A_9 : f32 to vector<1024x1xf32>
    %gt3A_11 = arith.cmpf ogt, %get3A_4, %gt3A_10 : vector<1024x1xf32>
    %max3A_12 = arith.constant 9.99999996E-13 : f32
    %max3A_13 = vector.broadcast %max3A_12 : f32 to vector<1024x1xf32>
    %max3A_14 = arith.maximumf %get3A_4, %max3A_13 : vector<1024x1xf32>
    %rsqrt3A_15 = math.rsqrt %max3A_14 : vector<1024x1xf32>
    %jit3A_16 = arith.constant 0.000000e+00 : f64
    %convert_element_type3A_17 = arith.truncf %jit3A_16 : f64 to f32
    %broadcast_in_dim3A_18 = vector.broadcast %convert_element_type3A_17 : f32 to vector<1024x1xf32>
    %select_n3A_19 = arith.select %gt3A_11, %rsqrt3A_15, %broadcast_in_dim3A_18 : vector<1024x1xi1>, vector<1024x1xf32>
    %get3A_20 = arith.constant 0 : index
    %get3A_21 = arith.constant 0 : index
    %get3A_22 = vector.load %arg1[%get3A_20, %get3A_21] : memref<1024x128xf32, #tpu.memory_space<vmem>>, vector<1024x128xf32>
    %mul3A = vector.broadcast %select_n3A : vector<1024x1xf32> to vector<1024x128xf32>
    %mul3A_23 = arith.mulf %get3A_22, %mul3A : vector<1024x128xf32>
    %swap3A = arith.constant 0 : index
    %swap3A_24 = arith.constant 0 : index
    %swap3A_25 = vector.load %arg4[%swap3A, %swap3A_24] : memref<1024x128xf32, #tpu.memory_space<vmem>>, vector<1024x128xf32>
    tpu.vector_store %arg4[%swap3A, %swap3A_24], %mul3A_23 {strides = array<i32>} : memref<1024x128xf32, #tpu.memory_space<vmem>>, vector<1024x128xf32>,
    %mul3A_26 = arith.mulf %select_n3A, %select_n3A_19 : vector<1024x1xf32>
    %broadcast_in_dim3A_27 = vector.shape_cast %mul3A_26 : vector<1024x1xf32> to vector<1024x1xf32>
    %broadcast_in_dim3A_28 = vector.broadcast %broadcast_in_dim3A_27 : vector<1024x1xf32> to vector<1024x128xf32>
    %swap3A_29 = arith.constant 0 : index
    %swap3A_30 = arith.constant 0 : index
    %swap3A_31 = vector.load %arg5[%swap3A_29, %swap3A_30] : memref<1024x128xf32, #tpu.memory_space<vmem>>, vector<1024x128xf32>
    tpu.vector_store %arg5[%swap3A_29, %swap3A_30], %broadcast_in_dim3A_28 {strides = array<i32>} : memref<1024x128xf32, #tpu.memory_space<vmem>>, vector<1024x128xf32>,
    %broadcast_in_dim3A_32 = vector.shape_cast %select_n3A_19 : vector<1024x1xf32> to vector<1024x1xf32>
    %broadcast_in_dim3A_33 = vector.broadcast %broadcast_in_dim3A_32 : vector<1024x1xf32> to vector<1024x128xf32>
    %swap3A_34 = arith.constant 0 : index
    %swap3A_35 = arith.constant 0 : index
    %swap3A_36 = vector.load %arg6[%swap3A_34, %swap3A_35] : memref<1024x128xf32, #tpu.memory_space<vmem>>, vector<1024x128xf32>
    tpu.vector_store %arg6[%swap3A_34, %swap3A_35], %broadcast_in_dim3A_33 {strides = array<i32>} : memref<1024x128xf32, #tpu.memory_space<vmem>>, vector<1024x128xf32>,
    return
  }
  func.func @transform_0(%arg0: i32) -> (i32, i32) {
    %c0_i32 = arith.constant 0 : i32
    %c0_i32_0 = arith.constant 0 : i32
    return %arg0, %c0_i32 : i32, i32
  }
  func.func @transform_1(%arg0: i32) -> (i32, i32) {
    %c0_i32 = arith.constant 0 : i32
    %c0_i32_0 = arith.constant 0 : i32
    return %arg0, %c0_i32 : i32, i32
  }
  func.func @transform_2(%arg0: i32) -> (i32, i32) {
    %add3A = arith.constant 10 : i32
    %add3A_0 = arith.addi %arg0, %add3A : i32
    %c0_i32 = arith.constant 0 : i32
    %c0_i32_1 = arith.constant 0 : i32
    return %add3A_0, %c0_i32 : i32, i32
  }
  func.func @transform_3(%arg0: i32) -> (i32, i32) {
    %c0_i32 = arith.constant 0 : i32
    %c0_i32_0 = arith.constant 0 : i32
    return %arg0, %c0_i32 : i32, i32
  }
  func.func @transform_4(%arg0: i32) -> (i32, i32) {
    %c0_i32 = arith.constant 0 : i32
    %c0_i32_0 = arith.constant 0 : i32
    return %arg0, %c0_i32 : i32, i32
  }
  func.func @transform_5(%arg0: i32) -> (i32, i32) {
    %c0_i32 = arith.constant 0 : i32
    %c0_i32_0 = arith.constant 0 : i32
    return %arg0, %c0_i32 : i32, i32
  }
}

module attributes {stable_mosaic.version = 14 : i64} {
  func.func @_node_body(%arg0: i32, %arg1: memref<1024x128xf32, #tpu.memory_space<vmem>>, %arg2: memref<1024x128xf32, #tpu.memory_space<vmem>>, %arg3: memref<1024x128xf32, #tpu.memory_space<vmem>>, %arg4: memref<1024x128xf32, #tpu.memory_space<vmem>>, %arg5: memref<1024x128xf32, #tpu.memory_space<vmem>>, %arg6: memref<1024x128xf32, #tpu.memory_space<vmem>>) attributes {dimension_semantics = [#tpu.dimension_semantics<arbitrary>], iteration_bounds = array<i64: 10>, scalar_prefetch = 0 : i64, scratch_operands = 0 : i64, tpu.core_type = #tpu.core_type<tc>, window_params = [{transform_indices = @transform_0, window_bounds = array<i64: 1024, 128>}, {transform_indices = @transform_1, window_bounds = array<i64: 1024, 128>}, {transform_indices = @transform_2, window_bounds = array<i64: 1024, 128>}, {transform_indices = @transform_3, window_bounds = array<i64: 1024, 128>}, {transform_indices = @transform_4, window_bounds = array<i64: 1024, 128>}, {transform_indices = @transform_5, window_bounds = array<i64: 1024, 128>}]} {
    %get3A = arith.constant 0 : index
    %get3A_0 = arith.constant 0 : index
    %get3A_1 = vector.load %arg1[%get3A, %get3A_0] : memref<1024x128xf32, #tpu.memory_space<vmem>>, vector<1024x128xf32>
    %get3A_2 = arith.constant 0 : index
    %get3A_3 = arith.constant 0 : index
    %get3A_4 = vector.load %arg2[%get3A_2, %get3A_3] : memref<1024x128xf32, #tpu.memory_space<vmem>>, vector<1024x128xf32>
    %add3A = arith.addf %get3A_1, %get3A_4 : vector<1024x128xf32>
    %get3A_5 = arith.constant 0 : index
    %get3A_6 = arith.constant 0 : index
    %get3A_7 = vector.load %arg4[%get3A_5, %get3A_6] : memref<1024x128xf32, #tpu.memory_space<vmem>>, vector<1024x128xf32>
    %mul3A = arith.mulf %add3A, %get3A_7 : vector<1024x128xf32>
    %get3A_8 = arith.constant 0 : index
    %get3A_9 = arith.constant 0 : index
    %get3A_10 = vector.load %arg5[%get3A_8, %get3A_9] : memref<1024x128xf32, #tpu.memory_space<vmem>>, vector<1024x128xf32>
    %add3A_11 = arith.addf %get3A_10, %mul3A : vector<1024x128xf32>
    %mul3A_12 = arith.constant 2.500000e-01 : f32
    %mul3A_13 = vector.broadcast %mul3A_12 : f32 to vector<1024x128xf32>
    %mul3A_14 = arith.mulf %add3A_11, %mul3A_13 : vector<1024x128xf32>
    %swap3A = arith.constant 0 : index
    %swap3A_15 = arith.constant 0 : index
    %swap3A_16 = vector.load %arg6[%swap3A, %swap3A_15] : memref<1024x128xf32, #tpu.memory_space<vmem>>, vector<1024x128xf32>
    tpu.vector_store %arg6[%swap3A, %swap3A_15], %mul3A_14 {strides = array<i32>} : memref<1024x128xf32, #tpu.memory_space<vmem>>, vector<1024x128xf32>,
    return
  }
  func.func @transform_0(%arg0: i32) -> (i32, i32) {
    %c0_i32 = arith.constant 0 : i32
    %c0_i32_0 = arith.constant 0 : i32
    return %arg0, %c0_i32 : i32, i32
  }
  func.func @transform_1(%arg0: i32) -> (i32, i32) {
    %add3A = arith.constant 10 : i32
    %add3A_0 = arith.addi %arg0, %add3A : i32
    %c0_i32 = arith.constant 0 : i32
    %c0_i32_1 = arith.constant 0 : i32
    return %add3A_0, %c0_i32 : i32, i32
  }
  func.func @transform_2(%arg0: i32) -> (i32, i32) {
    %c0_i32 = arith.constant 0 : i32
    %c0_i32_0 = arith.constant 0 : i32
    return %arg0, %c0_i32 : i32, i32
  }
  func.func @transform_3(%arg0: i32) -> (i32, i32) {
    %c0_i32 = arith.constant 0 : i32
    %c0_i32_0 = arith.constant 0 : i32
    return %arg0, %c0_i32 : i32, i32
  }
  func.func @transform_4(%arg0: i32) -> (i32, i32) {
    %c0_i32 = arith.constant 0 : i32
    %c0_i32_0 = arith.constant 0 : i32
    return %arg0, %c0_i32 : i32, i32
  }
  func.func @transform_5(%arg0: i32) -> (i32, i32) {
    %c0_i32 = arith.constant 0 : i32
    %c0_i32_0 = arith.constant 0 : i32
    return %arg0, %c0_i32 : i32, i32
  }
}

module attributes {stable_mosaic.version = 14 : i64} {
  func.func @_node_body(%arg0: i32, %arg1: memref<1024x128xf32, #tpu.memory_space<vmem>>, %arg2: memref<1024x128xf32, #tpu.memory_space<vmem>>, %arg3: memref<1024x128xf32, #tpu.memory_space<vmem>>, %arg4: memref<1024x128xf32, #tpu.memory_space<vmem>>, %arg5: memref<1024x128xf32, #tpu.memory_space<vmem>>, %arg6: memref<1024x128xf32, #tpu.memory_space<vmem>>, %arg7: memref<1024x128xf32, #tpu.memory_space<vmem>>) attributes {dimension_semantics = [#tpu.dimension_semantics<arbitrary>], iteration_bounds = array<i64: 10>, scalar_prefetch = 0 : i64, scratch_operands = 0 : i64, tpu.core_type = #tpu.core_type<tc>, window_params = [{transform_indices = @transform_0, window_bounds = array<i64: 1024, 128>}, {transform_indices = @transform_1, window_bounds = array<i64: 1024, 128>}, {transform_indices = @transform_2, window_bounds = array<i64: 1024, 128>}, {transform_indices = @transform_3, window_bounds = array<i64: 1024, 128>}, {transform_indices = @transform_4, window_bounds = array<i64: 1024, 128>}, {transform_indices = @transform_5, window_bounds = array<i64: 1024, 128>}, {transform_indices = @transform_6, window_bounds = array<i64: 1024, 128>}]} {
    %get3A = arith.constant 0 : index
    %get3A_0 = arith.constant 0 : index
    %get3A_1 = vector.load %arg1[%get3A, %get3A_0] : memref<1024x128xf32, #tpu.memory_space<vmem>>, vector<1024x128xf32>
    %get3A_2 = arith.constant 0 : index
    %get3A_3 = arith.constant 0 : index
    %get3A_4 = vector.load %arg2[%get3A_2, %get3A_3] : memref<1024x128xf32, #tpu.memory_space<vmem>>, vector<1024x128xf32>
    %add3A = arith.addf %get3A_1, %get3A_4 : vector<1024x128xf32>
    %get3A_5 = arith.constant 0 : index
    %get3A_6 = arith.constant 0 : index
    %get3A_7 = vector.load %arg4[%get3A_5, %get3A_6] : memref<1024x128xf32, #tpu.memory_space<vmem>>, vector<1024x128xf32>
    %mul3A = arith.mulf %add3A, %get3A_7 : vector<1024x128xf32>
    %get3A_8 = arith.constant 0 : index
    %get3A_9 = arith.constant 0 : index
    %get3A_10 = vector.load %arg3[%get3A_8, %get3A_9] : memref<1024x128xf32, #tpu.memory_space<vmem>>, vector<1024x128xf32>
    %mul3A_11 = arith.mulf %add3A, %get3A_10 : vector<1024x128xf32>
    %swap3A = arith.constant 0 : index
    %swap3A_12 = arith.constant 0 : index
    %swap3A_13 = vector.load %arg6[%swap3A, %swap3A_12] : memref<1024x128xf32, #tpu.memory_space<vmem>>, vector<1024x128xf32>
    tpu.vector_store %arg6[%swap3A, %swap3A_12], %mul3A_11 {strides = array<i32>} : memref<1024x128xf32, #tpu.memory_space<vmem>>, vector<1024x128xf32>,
    %get3A_14 = arith.constant 0 : index
    %get3A_15 = arith.constant 0 : index
    %get3A_16 = vector.load %arg5[%get3A_14, %get3A_15] : memref<1024x128xf32, #tpu.memory_space<vmem>>, vector<1024x128xf32>
    %add3A_17 = arith.addf %get3A_16, %mul3A : vector<1024x128xf32>
    %swap3A_18 = arith.constant 0 : index
    %swap3A_19 = arith.constant 0 : index
    %swap3A_20 = vector.load %arg7[%swap3A_18, %swap3A_19] : memref<1024x128xf32, #tpu.memory_space<vmem>>, vector<1024x128xf32>
    tpu.vector_store %arg7[%swap3A_18, %swap3A_19], %add3A_17 {strides = array<i32>} : memref<1024x128xf32, #tpu.memory_space<vmem>>, vector<1024x128xf32>,
    return
  }
  func.func @transform_0(%arg0: i32) -> (i32, i32) {
    %c0_i32 = arith.constant 0 : i32
    %c0_i32_0 = arith.constant 0 : i32
    return %arg0, %c0_i32 : i32, i32
  }
  func.func @transform_1(%arg0: i32) -> (i32, i32) {
    %add3A = arith.constant 10 : i32
    %add3A_0 = arith.addi %arg0, %add3A : i32
    %c0_i32 = arith.constant 0 : i32
    %c0_i32_1 = arith.constant 0 : i32
    return %add3A_0, %c0_i32 : i32, i32
  }
  func.func @transform_2(%arg0: i32) -> (i32, i32) {
    %c0_i32 = arith.constant 0 : i32
    %c0_i32_0 = arith.constant 0 : i32
    return %arg0, %c0_i32 : i32, i32
  }
  func.func @transform_3(%arg0: i32) -> (i32, i32) {
    %c0_i32 = arith.constant 0 : i32
    %c0_i32_0 = arith.constant 0 : i32
    return %arg0, %c0_i32 : i32, i32
  }
  func.func @transform_4(%arg0: i32) -> (i32, i32) {
    %c0_i32 = arith.constant 0 : i32
    %c0_i32_0 = arith.constant 0 : i32
    return %arg0, %c0_i32 : i32, i32
  }
  func.func @transform_5(%arg0: i32) -> (i32, i32) {
    %c0_i32 = arith.constant 0 : i32
    %c0_i32_0 = arith.constant 0 : i32
    return %arg0, %c0_i32 : i32, i32
  }
  func.func @transform_6(%arg0: i32) -> (i32, i32) {
    %c0_i32 = arith.constant 0 : i32
    %c0_i32_0 = arith.constant 0 : i32
    return %arg0, %c0_i32 : i32, i32
  }
}

</mosaic_0001>

<sc_bundles>
// kernel: kernel.10.cloned.1.call-start
scs
__scs_entry_jumppad:
0x0: {  	(pc) =	sbr.rel $0x88, $3  }
0x1: {  	(tag) =	ssettag $0x0;
	lr =	simm.s32 $0x1  }
0x2: {  	[smem:$0x3F9F] =	sst lr;
	_ =	strace $0xD0000000  }
0x3: {  	_ = 	snop  }
0x4: {  	_ = 	snop  }
0x5: {  	_ = 	snop  }
0x6: {  	_ = 	snop  }
0x7: {  	_ = 	snop  }
__scs_overlays_trampoline_lowered:
0x8: {  	[smem:$0x3FAE] =	sst s0  }
0x9: {  	[smem:$0x3FAF] =	sst s1  }
0xa: {  	[smem:$0x3FB0] =	sst s2  }
0xb: {  	[smem:$0x3FB1] =	sst s3  }
0xc: {  	[smem:$0x3FB2] =	sst s4  }
0xd: {  	[smem:$0x3FB3] =	sst s5  }
0xe: {  	[smem:$0x3FB4] =	sst s6  }
0xf: {  	[smem:$0x3FB5] =	sst s7  }
0x10: {  	[smem:$0x3FB6] =	sst s8  }
0x11: {  	[smem:$0x3FB7] =	sst s9;
	s0 =	simm.s32 @!p0 $0x0  }
0x12: {  	s1 =	sld [smem:$0x3F9D];
	s0 =	simm.s32 @p0 $0x1  }
0x13: {  	[smem:$0x3FB8] =	sst s0;
	s0 =	simm.s32 @!p1 $0x0  }
0x14: {  	s2 =	sld [smem:$0x3F9C];
	s0 =	simm.s32 @p1 $0x1  }
0x15: {  	[smem:$0x3FB9] =	sst s0;
	s0 =	simm.s32 @!p2 $0x0  }
0x16: {  	s3 =	sld [smem:$0x3FDB];
	s0 =	simm.s32 @p2 $0x1  }
0x17: {  	s4 =	simm.s32 $0x1BF5;
	[smem:$0x3FBB] =	sst s0  }
0x18: {  	s0 =	sld [smem:$0x3F9E];
	_ =	swait.ge [sflag:s4], $0x0  }
0x19: {  	s7 =	sld [smem:$0x3F9F]  }
0x1a: {  	s8 =	sadd.s32 $0xFFFFE003, lr  }
0x1b: {  	s9 =	sadd.s32 $0xFFFFFEF7, lr;
	s5 =	simm.s32 $0xFFFFFFFF;
	p2 =	slt.u32 s8, $0xFFFFF086  }
0x1c: {  	p1 =	slt.u32 s9, $0xF7A;
	s5 =	simm.s32 @!p2 $0x0  }
0x1d: {  	s5 =	simm.s32 @p1 $0x1;
	p0 =	seq.s32 s7, s2  }
0x1e: {  	s7 =	smul.u32 @!p0 $0xF7A, s2;
	p2 =	seq.s32 @!p0 s5, $0x0  }
0x1f: {  	s9 =	smul.u32 $0xF7A, s1;
	s8 =	simm.s32 @!p0 $0x1BF5;
	p2 =	por !p2, p0  }
0x20: {  	[sflag:s8] =	ssyncset.s32 @!p0 $0xFFFFF086;
	s6 =	sadd.s32 @!p0 s3, s7;
	s7 =	simm.s32 @!p0 $0x108  }
0x21: {  	s3 =	sadd.s32 s3, s9;
	s6 =	sadd.s32 @!p0 $0x88, s6;
	s7 =	simm.s32 @p2 $0x1082  }
0x22: {  	[simem:s7], [sflag:s8] =	dma.local @!p0 [hbm:s6], $0xF7A  }
0x23: {  	s9 =	sor.u32 $0xD0000000, s2;
	s6 =	simm.s32 $0x108;
	_ =	swait.ge @!p0 [sflag:s8], $0x0  }
0x24: {  	s3 =	sadd.s32 $0x88, s3;
	s6 =	simm.s32 @!p1 $0x1082;
	[sflag:s4] =	ssyncset.s32 $0xFFFFF086  }
0x25: {  	[simem:s6], [sflag:s4] =	dma.local [hbm:s3], $0xF7A  }
0x26: {  	[smem:$0x3F9F] =	sst s1;
	(tag) =	ssettag s2;
	_ =	strace s9  }
0x27: {  	s1 =	sld [smem:$0x3FAF]  }
0x28: {  	s2 =	sld [smem:$0x3FB0]  }
0x29: {  	s4 =	sld [smem:$0x3FB2]  }
0x2a: {  	p0 =	seq.s32 s5, $0x0;
	s5 =	sld [smem:$0x3FB3]  }
0x2b: {  	s6 =	sld [smem:$0x3FB4]  }
0x2c: {  	s7 =	sld [smem:$0x3FB5]  }
0x2d: {  	s3 =	simm.s32 $0x108;
	s8 =	sld [smem:$0x3FB6]  }
0x2e: {  	s3 =	simm.s32 @!p0 $0x1082;
	s9 =	sld [smem:$0x3FB7]  }
0x2f: {  	lr =	sadd.s32 s0, s3;
	s0 =	sld [smem:$0x3FAE]  }
0x30: {  	s3 =	sld [smem:$0x3FB1]  }
0x31: {  	[smem:$0x3FBA] =	sst s10  }
0x32: {  	s10 =	sld [smem:$0x3FB8];
	_ =	sdelay $0x3  }
0x33: {  	p0 =	seq.s32 s10, $0x1;
	s10 =	sld [smem:$0x3FBA];
	_ =	sdelay $0x3  }
0x34: {  	[smem:$0x3FBA] =	sst s10  }
0x35: {  	s10 =	sld [smem:$0x3FB9];
	_ =	sdelay $0x3  }
0x36: {  	p1 =	seq.s32 s10, $0x1;
	s10 =	sld [smem:$0x3FBA];
	_ =	sdelay $0x3  }
0x37: {  	[smem:$0x3FBA] =	sst s10  }
0x38: {  	s10 =	sld [smem:$0x3FBB]  }
0x39: {  	_ = 	snop;
	(pc) =	sbr.ind lr, $3  }
0x3a: {  	_ = 	snop  }
0x3b: {  	_ = 	snop  }
0x3c: {  	p2 =	seq.s32 s10, $0x1;
	s10 =	sld [smem:$0x3FBA]  }
0x3d: {  	_ =	shalt  }
0x3e: {  	_ =	shalt  }
0x3f: {  	_ =	shalt  }
0x40: {  	_ =	shalt  }
0x41: {  	_ =	shalt  }
0x42: {  	_ =	shalt  }
0x43: {  	_ =	shalt  }
0x44: {  	_ =	shalt  }
0x45: {  	_ =	shalt  }
0x46: {  	_ =	shalt  }
0x47: {  	_ =	shalt  }
0x48: {  	_ =	shalt  }
0x49: {  	_ =	shalt  }
0x4a: {  	_ =	shalt  }
0x4b: {  	_ =	shalt  }
0x4c: {  	_ =	shalt  }
0x4d: {  	_ =	shalt  }
0x4e: {  	_ =	shalt  }
0x4f: {  	_ =	shalt  }
0x50: {  	_ =	shalt  }
0x51: {  	_ =	shalt  }
0x52: {  	_ =	shalt  }
0x53: {  	_ =	shalt  }
0x54: {  	_ =	shalt  }
0x55: {  	_ =	shalt  }
0x56: {  	_ =	shalt  }
0x57: {  	_ =	shalt  }
0x58: {  	_ =	shalt  }
0x59: {  	_ =	shalt  }
0x5a: {  	_ =	shalt  }
0x5b: {  	_ =	shalt  }
0x5c: {  	_ =	shalt  }
0x5d: {  	_ =	shalt  }
0x5e: {  	_ =	shalt  }
0x5f: {  	_ =	shalt  }
0x60: {  	_ =	shalt  }
0x61: {  	_ =	shalt  }
0x62: {  	_ =	shalt  }
0x63: {  	_ =	shalt  }
0x64: {  	_ =	shalt  }
0x65: {  	_ =	shalt  }
0x66: {  	_ =	shalt  }
0x67: {  	_ =	shalt  }
0x68: {  	_ =	shalt  }
0x69: {  	_ =	shalt  }
0x6a: {  	_ =	shalt  }
0x6b: {  	_ =	shalt  }
0x6c: {  	_ =	shalt  }
0x6d: {  	_ =	shalt  }
0x6e: {  	_ =	shalt  }
0x6f: {  	_ =	shalt  }
0x70: {  	_ =	shalt  }
0x71: {  	_ =	shalt  }
0x72: {  	_ =	shalt  }
0x73: {  	_ =	shalt  }
0x74: {  	_ =	shalt  }
0x75: {  	_ =	shalt  }
0x76: {  	_ =	shalt  }
0x77: {  	_ =	shalt  }
0x78: {  	_ =	shalt  }
0x79: {  	_ =	shalt  }
0x7a: {  	_ =	shalt  }
0x7b: {  	_ =	shalt  }
0x7c: {  	_ =	shalt  }
0x7d: {  	_ =	shalt  }
0x7e: {  	_ =	shalt  }
0x7f: {  	_ =	shalt  }
0x80: {  	_ =	shalt  }
0x81: {  	_ =	shalt  }
0x82: {  	_ =	shalt  }
0x83: {  	_ =	shalt  }
0x84: {  	_ =	shalt  }
0x85: {  	_ =	shalt  }
0x86: {  	_ =	shalt  }
0x87: {  	_ =	shalt  }
.Lfunc_end0:
.L_simem_size_0:
called_computation_lowered:
.L_overlay_start_0:
0x88: {  	s2 =	sld [smem:$0x3FD9]  }
0x89: {  	s3 =	sld [smem:$0x3FFE];
	_ =	sdelay $0x1  }
0x8a: {  	s1 =	srdreg.scid  }
0x8b: {  	s0 =	sand.u32 $0x1, s1  }
0x8c: {  	s14 =	sshll.u32 s0, $0xA;
	s2 =	sadd.s32 s3, s2  }
0x8d: {  	s2 =	sadd.s32 s2, s14  }
0x8e: {  	[smem:$0x3FC6] =	sst s2  }
0x8f: {  	_ = 	snop  }
0x90: {  	s2 =	sld [smem:$0x3FD0];
	_ =	sdelay $0x2  }
0x91: {  	s15 =	simm.s32 $0xA;
	s4 =	simm.s32 $0x10  }
0x92: {  	[smem:s4], [sflag:s15] =	dma.local [hbm:s2], $0x1  }
0x93: {  	_ =	swait.eq [sflag:s15], $0x1  }
0x94: {  	[sflag:s15] =	ssyncset.done $0x0  }
0x95: {  	[sflag:s15] =	ssyncadd.s32 $0xFFFFFFFF  }
0x96: {  	s16 =	sld [smem:$0x11];
	(tm) =	ssettm $0x1  }
0x97: {  	s17 =	sld [smem:$0x3FFB];
	_ =	sdelay $0x3  }
0x98: {  	_ =	strace s17  }
0x99: {  	s3 =	sld [smem:$0x3FFC];
	_ =	sdelay $0x3  }
0x9a: {  	_ =	strace s3  }
0x9b: {  	s3 =	sld [smem:$0x3FFD];
	_ =	sdelay $0x3  }
0x9c: {  	_ =	strace s3  }
0x9d: {  	_ =	strace $0x8FFFFFFF  }
0x9e: {  	s18 =	sld [smem:$0x3FDB];
	_ =	sdelay $0x1  }
0x9f: {  	s19 =	simm.s32 $_scs_section_size  }
0xa0: {  	s5 =	simm.s32 $_size__tile_overlayer_lowered;
	s6 =	simm.s32 $_tile_overlayer_lowered  }
0xa1: {  	s22 =	simm.s32 $0x1BFF;
	s21 =	sshll.u32 s6, $0x1;
	s3 =	sadd.s32 s19, s18  }
0xa2: {  	s7 =	simm.s32 $0x0;
	s20 =	sshll.u32 s5, $0x1;
	s5 =	sadd.s32 s21, s3  }
0xa3: {  	[timem:s7], [sflag:s22] =	dma.local [hbm:s5], s20  }
0xa4: {  	_ =	swait.ge [sflag:s22], s20  }
0xa5: {  	s4 =	ssub.s32 $0x0, s20;
	[sflag:s22] =	ssyncset.done $0x0  }
0xa6: {  	[sflag:s22] =	ssyncadd.s32 s4;
	_ =	sdelay $0x1  }
0xa7: {  	s23 =	simm.s32 $0x1B8B  }
0xa8: {  	_ =	swait.ge [sflag:s23], $0x1  }
0xa9: {  	[sflag:s23] =	ssyncset.done $0x0  }
0xaa: {  	s25 =	simm.s32 $0x1B8E;
	s24 =	sld [smem:$0x3FFE];
	[sflag:s23] =	ssyncadd.s32 $0xFFFFFFFF  }
0xab: {  	s26 =	simm.s32 $execute0_lowered;
	[smem:$0x3FD2] =	sst s25  }
0xac: {  	s5 =	sshll.u32 s26, $0x1;
	_ =	strace $0x80000046;
	[dreg:$0x1] =	wrdreg $0xFFFFFFFF  }
0xad: {  	s28 =	simm.s32 $_size_execute0_lowered;
	s3 =	sadd.s32 s3, s5;
	[dreg:$0x0] =	wrdreg $0x0  }
0xae: {  	s5 =	sshll.u32 s28, $0x1;
	[dreg:$0x2] =	wrdreg s3  }
0xaf: {  	[dreg:$0x3] =	wrdreg s5  }
0xb0: {  	[dreg:$0x4] =	wrdreg $0xC0  }
0xb1: {  	_ =	task [dreg:s7], $0x5FFFF  }
0xb2: {  	[dreg:$0x1] =	wrdreg $0xFFFFFFFF  }
0xb3: {  	[dreg:$0x0] =	wrdreg $0x60  }
0xb4: {  	[dreg:$0x2] =	wrdreg s16  }
0xb5: {  	[dreg:$0x3] =	wrdreg s24  }
0xb6: {  	[dreg:$0x4] =	wrdreg $0x90000  }
0xb7: {  	[dreg:$0x5] =	wrdreg $0x9  }
0xb8: {  	_ =	task.clear_ibuf [dreg:s7], $0x6FFFF;
	_ =	strace $0x90000046  }
0xb9: {  	s29 =	simm.s32 $0x9;
	_ =	strace $0x80000048  }
0xba: {  	_ =	swait.ge [sflag:s29], $0x1  }
0xbb: {  	[sflag:s29] =	ssyncadd.s32 $0xFFFFFFFF  }
0xbc: {  	_ =	strace $0x90000048  }
0xbd: {  	_ =	sfence  }
0xbe: {  	s30 =	sld [smem:$0x0];
	_ =	sdelay $0x2  }
0xbf: {  	s31 =	sshll.u32 s1, $0xD;
	s1 =	sshrl.u32 s1, $0x2  }
0xc0: {  	s3 =	sand.u32 $0x4000, s31;
	s1 =	sadd.s32 s1, s30  }
0xc1: {  	s0 =	sor.u32 s3, s0;
	s1 =	sshll.u32 s1, $0x11  }
0xc2: {  	s0 =	sor.u32 s1, s0  }
0xc3: {  	s0 =	sadd.s32 $0x8F2B, s0  }
0xc4: {  	[sflag:s0] =	ssyncadd.remote.s32 $0x1  }
0xc5: {  	_ =	sfence.sel $0xFFFF  }
0xc6: {  	[dreg:$0x0] =	wrdreg $0xFFFFFFFF;
	(pc) =	sbr.abs _section_cstart, $3  }
0xc7: {  	[dreg:$0x1] =	wrdreg $0xFFFFFFFF  }
0xc8: {  	_ =	task.clear_ibuf [dreg:s7], $0x2FFFF;
	_ =	strace $0x9FFFFFFF  }
0xc9: {  	(tm) =	ssettm $0x7FFFFFFF  }
tec
execute0_lowered:
.L_overlay_start_1:
0x0: {  	(tag) =	ssettag $0x1  }
0x1: {  	s7 =	rddreg [dreg:$0x0]  }
0x2: {  	s5 =	rddreg [dreg:$0x1];
	s0 =	stileid.u32  }
0x3: {  	s1 =	srdreg.scid;
	s2 =	rddreg [dreg:$0x2];
	s3 =	simm.s32 $0x0  }
0x4: {  	s14 =	simm.s32 $0x2800;
	s15 =	simm.s32 $0x80;
	s6 =	smul.u32 $0x2800, s0  }
0x5: {  	s8 =	sand.u32 $0x1, s1;
	s1 =	rddreg [dreg:$0x3];
	s10 =	smul.u32 $0x50000, s0  }
0x6: {  	s16 =	simm.s32 $0x0;
	[smem:$0x7FF] =	sst s3;
	s12 =	smul.u32 $0x5000, s0  }
0x7: {  	s4 =	sadd.s32 $0x2000, s5;
	s31 =	sshll.u32 s0, $0x6;
	s9 =	smul.u32 $0x28000, s8  }
0x8: {  	_ =	strace $0x80000047;
	s11 =	smul.u32 $0x50000, s8;
	s8 =	ssub.s32 $0x2, s8  }
0x9: {  	s28 =	sshrl.u32 s8, $0x1;
	s29 =	sshrl.u32 s10, $0x2;
	s9 =	sadd.s32 s6, s9  }
0xa: {  	s6 =	sadd.s32 s6, s5;
	s13 =	ssub.s32 s8, s28;
	s30 =	sadd.s32 s12, s11  }
0xb: {  	s10 =	sadd.s32 s29, s2;
	s11 =	simm.s32 $0x1;
	s12 =	simm.s32 $0x5000  }
0xc: {  	s9 =	sadd.s32 s9, s5;
	s8 =	sshrl.u32 s30, $0x3;
	s5 =	sadd.s32 $0x2800, s6  }
0xd: {  	s6 =	sor.u32 $0x1C01, s31;
	s10 =	sshrl.u32 s10, $0x3;
	s7 =	sadd.s32 s7, s8  }
0xe: {  	s8 =	sadd.s32 $0x2A800, s9;
	s9 =	smax.u32 s13, $0x1;
	s13 =	sadd.s32 $0x500, s7  }
.LBB2_1:
0xf: {  	[spmem:s10], [sflag:s6] =	dma.local [hbm:s5], $0x2800  }
0x10: {  	_ =	swait.ge [sflag:s11], $0x2800  }
0x11: {  	[sflag:s11] =	ssyncset.done $0x0  }
0x12: {  	[sflag:s11] =	ssyncadd.s32 $0xFFFFD800  }
0x13: {  	[tilespmem:s12], [sflag:$0x1] =	stream.linear.gather [hbm4b:s4+s3], $0x4000, $0x38;
	[tilespmem:$0x1D000] =	vst v63  }
0x14: {  	_ =	swait.ge [sflag:s11], $0x4000  }
0x15: {  	[sflag:s11] =	ssyncset.done $0x0  }
0x16: {  	[sflag:s11] =	ssyncadd.s32 $0xFFFFC000  }
0x17: {  	[tilespmem:s3], [sflag:$0x1] =	stream.linear.gather [hbm4b:s7+s3], $0x2780, $0x38;
	[tilespmem:$0x1D000] =	vst v63  }
0x18: {  	_ = 	snop  }
0x19: {  	[tilespmem:s14], [sflag:$0x1] =	stream.linear.gather [hbm4b:s13+s3], $0x2780, $0x38;
	[tilespmem:$0x1D000] =	vst v63  }
0x1a: {  	_ =	swait.ge [sflag:s11], $0x4F00  }
0x1b: {  	[sflag:s11] =	ssyncset.done $0x0  }
0x1c: {  	[sflag:s11] =	ssyncadd.s32 $0xFFFFB100  }
0x1d: {  	s17 =	simm.s32 $0x0;
	[bflag:$0x0] =	sbarrier.arrive $0xFFFF  }
0x1e: {  	[spmem:s2] =	stream.indirect.scatter.add.f32 [tilespmem:s12], [sflag:$0x1], $0x80, s17, s15, $0xb8;
	[tilespmem:$0x1D000] =	vst v63  }
0x1f: {  	_ =	swait.ge [sflag:s11], $0x4000  }
0x20: {  	[sflag:s11] =	ssyncset.done $0x0  }
0x21: {  	s31 =	simm.s32 $0x2800;
	[sflag:s11] =	ssyncadd.s32 $0xFFFFC000  }
0x22: {  	[spmem:s2] =	stream.indirect.scatter.add.f32 [tilespmem:s12], [sflag:$0x1], $0x80, s31, s15, $0xb8;
	[tilespmem:$0x1D000] =	vst v63  }
0x23: {  	_ =	swait.ge [sflag:s11], $0x4000  }
0x24: {  	s18 =	simm.s32 $0x400;
	s17 =	simm.s32 $0x200;
	[sflag:s11] =	ssyncset.done $0x0  }
.LBB2_2:
0x25: {  	s19 =	sshra.s32 s17, $0x2  }
0x26: {  	[sflag:s11] =	ssyncadd.s32 $0xFFFFC000;
	s17 =	smov.u32 s18;
	s20 =	sadd.s32 $0x200, s18  }
0x27: {  	[spmem:s2] =	stream.indirect.scatter.add.f32 [tilespmem:s12], [sflag:$0x1], $0x80, s19, s15, $0xb8;
	[tilespmem:$0x1D000] =	vst v63  }
0x28: {  	p0 =	sne.s32 s18, $0x9C00;
	_ =	swait.ge [sflag:s11], $0x4000  }
.Ltmp0:
0x29: {  	[sflag:s11] =	ssyncset.done $0x0;
	(pc) =	sbr.rel @p0 .LBB2_2-.Ltmp0, $4  }
0x2a: {  	s18 =	sadd.s32 $0x2800, s19;
	[sflag:s11] =	ssyncadd.s32 $0xFFFFC000  }
0x2b: {  	[spmem:s2] =	stream.indirect.scatter.add.f32 [tilespmem:s12], [sflag:$0x1], $0x80, s18, s15, $0xb8;
	[tilespmem:$0x1D000] =	vst v63  }
0x2c: {  	_ =	swait.ge [sflag:s11], $0x4000  }
0x2d: {  	s18 =	smov.u32 s20;
	[sflag:s11] =	ssyncset.done $0x0  }
0x2e: {  	s17 =	sshra.s32 s17, $0x2;
	[sflag:s11] =	ssyncadd.s32 $0xFFFFC000  }
0x2f: {  	[spmem:s2] =	stream.indirect.scatter.add.f32 [tilespmem:s12], [sflag:$0x1], $0x80, s17, s15, $0xb8;
	[tilespmem:$0x1D000] =	vst v63  }
0x30: {  	_ =	swait.ge [sflag:s11], $0x4000  }
0x31: {  	[sflag:s11] =	ssyncset.done $0x0  }
0x32: {  	s17 =	sadd.s32 $0x2800, s17;
	[sflag:s11] =	ssyncadd.s32 $0xFFFFC000  }
0x33: {  	[spmem:s2] =	stream.indirect.scatter.add.f32 [tilespmem:s12], [sflag:$0x1], $0x80, s17, s15, $0xb8;
	[tilespmem:$0x1D000] =	vst v63  }
0x34: {  	_ =	swait.ge [sflag:s11], $0x4000  }
0x35: {  	s16 =	sadd.s32 $0x1, s16;
	[sflag:s11] =	ssyncset.done $0x0  }
0x36: {  	p0 =	sne.s32 s16, s9;
	[sflag:s11] =	ssyncadd.s32 $0xFFFFC000  }
.Ltmp1:
0x37: {  	[bflag:$0x0] =	sbarrier.arrive $0xFFFF;
	(pc) =	sbr.rel @p0 .LBB2_1-.Ltmp1, $4  }
0x38: {  	[hbm:s8], [sflag:s6] =	dma.local [spmem:s10], $0x2800  }
0x39: {  	_ =	swait.ge [sflag:s11], $0x2800  }
0x3a: {  	[sflag:s11] =	ssyncset.done $0x0  }
0x3b: {  	[sflag:s11] =	ssyncadd.s32 $0xFFFFD800  }
0x3c: {  	_ =	sfence.sel $0x180000  }
0x3d: {  	[bflag:$0x0] =	sbarrier.arrive $0xFFFF  }
0x3e: {  	p0 =	sne.s32 s0, $0x0;
	_ =	strace $0x90000047  }
0x3f: {  	s0 =	sadd.s32 @!p0 $0x100000, s1;
	[bflag:$0x2] =	sbarrier.arrive $0xFFFF  }
0x40: {  	[sflag:s0] =	ssyncadd.tile.s32 @!p0 $0x1;
	_ =	shalt  }
.Lfunc_end2:
_tile_overlayer_lowered:
.L_overlay_start_2:
0x41: {  	(tag) =	ssettag $0x2  }
0x42: {  	s0 =	rddreg [dreg:$0x0];
	s2 =	stileid.u32  }
0x43: {  	s1 =	rddreg [dreg:$0x1];
	p0 =	sne.s32 s2, $0x0  }
0x44: {  	s3 =	rddreg [dreg:$0x2];
	[bflag:$0x3] =	sbarrier.arrive $0xFFFF;
	s2 =	simm.s32 @!p0 $0x1C01  }
0x45: {  	[timem:s3], [sflag:s2] =	dma.local @!p0 [hbm:s0], s1  }
0x46: {  	s0 =	simm.s32 @!p0 $0x1  }
0x47: {  	_ =	swait.ge @!p0 [sflag:s0], s1  }
0x48: {  	s1 =	ssub.s32 @!p0 $0x0, s1;
	[sflag:s0] =	ssyncset.done @!p0 $0x0  }
0x49: {  	[sflag:s0] =	ssyncadd.s32 @!p0 s1  }
0x4a: {  	[bflag:$0x3] =	sbarrier.arrive $0xFFFF  }
0x4b: {  	_ =	shalt  }

// kernel: kernel.13.cloned.1.call-start
scs
__scs_entry_jumppad:
0x0: {  	(pc) =	sbr.rel $0x88, $3  }
0x1: {  	(tag) =	ssettag $0x0;
	lr =	simm.s32 $0x1  }
0x2: {  	[smem:$0x3F9F] =	sst lr;
	_ =	strace $0xD0000000  }
0x3: {  	_ = 	snop  }
0x4: {  	_ = 	snop  }
0x5: {  	_ = 	snop  }
0x6: {  	_ = 	snop  }
0x7: {  	_ = 	snop  }
__scs_overlays_trampoline_lowered:
0x8: {  	[smem:$0x3FAE] =	sst s0  }
0x9: {  	[smem:$0x3FAF] =	sst s1  }
0xa: {  	[smem:$0x3FB0] =	sst s2  }
0xb: {  	[smem:$0x3FB1] =	sst s3  }
0xc: {  	[smem:$0x3FB2] =	sst s4  }
0xd: {  	[smem:$0x3FB3] =	sst s5  }
0xe: {  	[smem:$0x3FB4] =	sst s6  }
0xf: {  	[smem:$0x3FB5] =	sst s7  }
0x10: {  	[smem:$0x3FB6] =	sst s8  }
0x11: {  	[smem:$0x3FB7] =	sst s9;
	s0 =	simm.s32 @!p0 $0x0  }
0x12: {  	s1 =	sld [smem:$0x3F9D];
	s0 =	simm.s32 @p0 $0x1  }
0x13: {  	[smem:$0x3FB8] =	sst s0;
	s0 =	simm.s32 @!p1 $0x0  }
0x14: {  	s2 =	sld [smem:$0x3F9C];
	s0 =	simm.s32 @p1 $0x1  }
0x15: {  	[smem:$0x3FB9] =	sst s0;
	s0 =	simm.s32 @!p2 $0x0  }
0x16: {  	s3 =	sld [smem:$0x3FDB];
	s0 =	simm.s32 @p2 $0x1  }
0x17: {  	s4 =	simm.s32 $0x1BF5;
	[smem:$0x3FBB] =	sst s0  }
0x18: {  	s0 =	sld [smem:$0x3F9E];
	_ =	swait.ge [sflag:s4], $0x0  }
0x19: {  	s7 =	sld [smem:$0x3F9F]  }
0x1a: {  	s8 =	sadd.s32 $0xFFFFE003, lr  }
0x1b: {  	s9 =	sadd.s32 $0xFFFFFEF7, lr;
	s5 =	simm.s32 $0xFFFFFFFF;
	p2 =	slt.u32 s8, $0xFFFFF086  }
0x1c: {  	p1 =	slt.u32 s9, $0xF7A;
	s5 =	simm.s32 @!p2 $0x0  }
0x1d: {  	s5 =	simm.s32 @p1 $0x1;
	p0 =	seq.s32 s7, s2  }
0x1e: {  	s7 =	smul.u32 @!p0 $0xF7A, s2;
	p2 =	seq.s32 @!p0 s5, $0x0  }
0x1f: {  	s9 =	smul.u32 $0xF7A, s1;
	s8 =	simm.s32 @!p0 $0x1BF5;
	p2 =	por !p2, p0  }
0x20: {  	[sflag:s8] =	ssyncset.s32 @!p0 $0xFFFFF086;
	s6 =	sadd.s32 @!p0 s3, s7;
	s7 =	simm.s32 @!p0 $0x108  }
0x21: {  	s3 =	sadd.s32 s3, s9;
	s6 =	sadd.s32 @!p0 $0x88, s6;
	s7 =	simm.s32 @p2 $0x1082  }
0x22: {  	[simem:s7], [sflag:s8] =	dma.local @!p0 [hbm:s6], $0xF7A  }
0x23: {  	s9 =	sor.u32 $0xD0000000, s2;
	s6 =	simm.s32 $0x108;
	_ =	swait.ge @!p0 [sflag:s8], $0x0  }
0x24: {  	s3 =	sadd.s32 $0x88, s3;
	s6 =	simm.s32 @!p1 $0x1082;
	[sflag:s4] =	ssyncset.s32 $0xFFFFF086  }
0x25: {  	[simem:s6], [sflag:s4] =	dma.local [hbm:s3], $0xF7A  }
0x26: {  	[smem:$0x3F9F] =	sst s1;
	(tag) =	ssettag s2;
	_ =	strace s9  }
0x27: {  	s1 =	sld [smem:$0x3FAF]  }
0x28: {  	s2 =	sld [smem:$0x3FB0]  }
0x29: {  	s4 =	sld [smem:$0x3FB2]  }
0x2a: {  	p0 =	seq.s32 s5, $0x0;
	s5 =	sld [smem:$0x3FB3]  }
0x2b: {  	s6 =	sld [smem:$0x3FB4]  }
0x2c: {  	s7 =	sld [smem:$0x3FB5]  }
0x2d: {  	s3 =	simm.s32 $0x108;
	s8 =	sld [smem:$0x3FB6]  }
0x2e: {  	s3 =	simm.s32 @!p0 $0x1082;
	s9 =	sld [smem:$0x3FB7]  }
0x2f: {  	lr =	sadd.s32 s0, s3;
	s0 =	sld [smem:$0x3FAE]  }
0x30: {  	s3 =	sld [smem:$0x3FB1]  }
0x31: {  	[smem:$0x3FBA] =	sst s10  }
0x32: {  	s10 =	sld [smem:$0x3FB8];
	_ =	sdelay $0x3  }
0x33: {  	p0 =	seq.s32 s10, $0x1;
	s10 =	sld [smem:$0x3FBA];
	_ =	sdelay $0x3  }
0x34: {  	[smem:$0x3FBA] =	sst s10  }
0x35: {  	s10 =	sld [smem:$0x3FB9];
	_ =	sdelay $0x3  }
0x36: {  	p1 =	seq.s32 s10, $0x1;
	s10 =	sld [smem:$0x3FBA];
	_ =	sdelay $0x3  }
0x37: {  	[smem:$0x3FBA] =	sst s10  }
0x38: {  	s10 =	sld [smem:$0x3FBB]  }
0x39: {  	_ = 	snop;
	(pc) =	sbr.ind lr, $3  }
0x3a: {  	_ = 	snop  }
0x3b: {  	_ = 	snop  }
0x3c: {  	p2 =	seq.s32 s10, $0x1;
	s10 =	sld [smem:$0x3FBA]  }
0x3d: {  	_ =	shalt  }
0x3e: {  	_ =	shalt  }
0x3f: {  	_ =	shalt  }
0x40: {  	_ =	shalt  }
0x41: {  	_ =	shalt  }
0x42: {  	_ =	shalt  }
0x43: {  	_ =	shalt  }
0x44: {  	_ =	shalt  }
0x45: {  	_ =	shalt  }
0x46: {  	_ =	shalt  }
0x47: {  	_ =	shalt  }
0x48: {  	_ =	shalt  }
0x49: {  	_ =	shalt  }
0x4a: {  	_ =	shalt  }
0x4b: {  	_ =	shalt  }
0x4c: {  	_ =	shalt  }
0x4d: {  	_ =	shalt  }
0x4e: {  	_ =	shalt  }
0x4f: {  	_ =	shalt  }
0x50: {  	_ =	shalt  }
0x51: {  	_ =	shalt  }
0x52: {  	_ =	shalt  }
0x53: {  	_ =	shalt  }
0x54: {  	_ =	shalt  }
0x55: {  	_ =	shalt  }
0x56: {  	_ =	shalt  }
0x57: {  	_ =	shalt  }
0x58: {  	_ =	shalt  }
0x59: {  	_ =	shalt  }
0x5a: {  	_ =	shalt  }
0x5b: {  	_ =	shalt  }
0x5c: {  	_ =	shalt  }
0x5d: {  	_ =	shalt  }
0x5e: {  	_ =	shalt  }
0x5f: {  	_ =	shalt  }
0x60: {  	_ =	shalt  }
0x61: {  	_ =	shalt  }
0x62: {  	_ =	shalt  }
0x63: {  	_ =	shalt  }
0x64: {  	_ =	shalt  }
0x65: {  	_ =	shalt  }
0x66: {  	_ =	shalt  }
0x67: {  	_ =	shalt  }
0x68: {  	_ =	shalt  }
0x69: {  	_ =	shalt  }
0x6a: {  	_ =	shalt  }
0x6b: {  	_ =	shalt  }
0x6c: {  	_ =	shalt  }
0x6d: {  	_ =	shalt  }
0x6e: {  	_ =	shalt  }
0x6f: {  	_ =	shalt  }
0x70: {  	_ =	shalt  }
0x71: {  	_ =	shalt  }
0x72: {  	_ =	shalt  }
0x73: {  	_ =	shalt  }
0x74: {  	_ =	shalt  }
0x75: {  	_ =	shalt  }
0x76: {  	_ =	shalt  }
0x77: {  	_ =	shalt  }
0x78: {  	_ =	shalt  }
0x79: {  	_ =	shalt  }
0x7a: {  	_ =	shalt  }
0x7b: {  	_ =	shalt  }
0x7c: {  	_ =	shalt  }
0x7d: {  	_ =	shalt  }
0x7e: {  	_ =	shalt  }
0x7f: {  	_ =	shalt  }
0x80: {  	_ =	shalt  }
0x81: {  	_ =	shalt  }
0x82: {  	_ =	shalt  }
0x83: {  	_ =	shalt  }
0x84: {  	_ =	shalt  }
0x85: {  	_ =	shalt  }
0x86: {  	_ =	shalt  }
0x87: {  	_ =	shalt  }
.Lfunc_end0:
.L_simem_size_0:
called_computation.1_lowered:
.L_overlay_start_0:
0x88: {  	s2 =	sld [smem:$0x3FD9]  }
0x89: {  	s3 =	sld [smem:$0x3FFE];
	_ =	sdelay $0x1  }
0x8a: {  	s1 =	srdreg.scid  }
0x8b: {  	s0 =	sand.u32 $0x1, s1  }
0x8c: {  	s14 =	sshll.u32 s0, $0xA;
	s2 =	sadd.s32 s3, s2  }
0x8d: {  	s2 =	sadd.s32 s2, s14  }
0x8e: {  	[smem:$0x3FC6] =	sst s2  }
0x8f: {  	_ = 	snop  }
0x90: {  	s2 =	sld [smem:$0x3FD0];
	_ =	sdelay $0x2  }
0x91: {  	s15 =	simm.s32 $0xA;
	s4 =	simm.s32 $0x10  }
0x92: {  	[smem:s4], [sflag:s15] =	dma.local [hbm:s2], $0x1  }
0x93: {  	_ =	swait.eq [sflag:s15], $0x1  }
0x94: {  	[sflag:s15] =	ssyncset.done $0x0  }
0x95: {  	[sflag:s15] =	ssyncadd.s32 $0xFFFFFFFF  }
0x96: {  	s16 =	sld [smem:$0x10];
	(tm) =	ssettm $0x1  }
0x97: {  	s17 =	sld [smem:$0x3FFB];
	_ =	sdelay $0x3  }
0x98: {  	_ =	strace s17  }
0x99: {  	s3 =	sld [smem:$0x3FFC];
	_ =	sdelay $0x3  }
0x9a: {  	_ =	strace s3  }
0x9b: {  	s3 =	sld [smem:$0x3FFD];
	_ =	sdelay $0x3  }
0x9c: {  	_ =	strace s3  }
0x9d: {  	_ =	strace $0x8FFFFFFF  }
0x9e: {  	s18 =	sld [smem:$0x3FDB];
	_ =	sdelay $0x1  }
0x9f: {  	s19 =	simm.s32 $_scs_section_size  }
0xa0: {  	s5 =	simm.s32 $_size__tile_overlayer_lowered;
	s6 =	simm.s32 $_tile_overlayer_lowered  }
0xa1: {  	s22 =	simm.s32 $0x1BFF;
	s21 =	sshll.u32 s6, $0x1;
	s3 =	sadd.s32 s19, s18  }
0xa2: {  	s7 =	simm.s32 $0x0;
	s20 =	sshll.u32 s5, $0x1;
	s5 =	sadd.s32 s21, s3  }
0xa3: {  	[timem:s7], [sflag:s22] =	dma.local [hbm:s5], s20  }
0xa4: {  	_ =	swait.ge [sflag:s22], s20  }
0xa5: {  	s4 =	ssub.s32 $0x0, s20;
	[sflag:s22] =	ssyncset.done $0x0  }
0xa6: {  	[sflag:s22] =	ssyncadd.s32 s4;
	_ =	sdelay $0x1  }
0xa7: {  	s23 =	simm.s32 $0x1B8B  }
0xa8: {  	_ =	swait.ge [sflag:s23], $0x1  }
0xa9: {  	[sflag:s23] =	ssyncset.done $0x0  }
0xaa: {  	s25 =	simm.s32 $0x1B8E;
	s24 =	sld [smem:$0x3FFE];
	[sflag:s23] =	ssyncadd.s32 $0xFFFFFFFF  }
0xab: {  	s26 =	simm.s32 $execute0_lowered;
	[smem:$0x3FD2] =	sst s25  }
0xac: {  	s5 =	sshll.u32 s26, $0x1;
	_ =	strace $0x80000049;
	[dreg:$0x1] =	wrdreg $0xFFFFFFFF  }
0xad: {  	s28 =	simm.s32 $_size_execute0_lowered;
	s3 =	sadd.s32 s3, s5;
	[dreg:$0x0] =	wrdreg $0x0  }
0xae: {  	s5 =	sshll.u32 s28, $0x1;
	[dreg:$0x2] =	wrdreg s3  }
0xaf: {  	[dreg:$0x3] =	wrdreg s5  }
0xb0: {  	[dreg:$0x4] =	wrdreg $0xC0  }
0xb1: {  	_ =	task [dreg:s7], $0x5FFFF  }
0xb2: {  	[dreg:$0x1] =	wrdreg $0xFFFFFFFF  }
0xb3: {  	[dreg:$0x0] =	wrdreg $0x60  }
0xb4: {  	[dreg:$0x2] =	wrdreg s24  }
0xb5: {  	[dreg:$0x3] =	wrdreg s16  }
0xb6: {  	[dreg:$0x4] =	wrdreg $0x90000  }
0xb7: {  	[dreg:$0x5] =	wrdreg $0x9  }
0xb8: {  	_ =	task.clear_ibuf [dreg:s7], $0x6FFFF;
	_ =	strace $0x90000049  }
0xb9: {  	s29 =	simm.s32 $0x9;
	_ =	strace $0x8000004B  }
0xba: {  	_ =	swait.ge [sflag:s29], $0x1  }
0xbb: {  	[sflag:s29] =	ssyncadd.s32 $0xFFFFFFFF  }
0xbc: {  	_ =	strace $0x9000004B  }
0xbd: {  	_ =	sfence  }
0xbe: {  	s30 =	sld [smem:$0x0];
	_ =	sdelay $0x2  }
0xbf: {  	s31 =	sshll.u32 s1, $0xD;
	s1 =	sshrl.u32 s1, $0x2  }
0xc0: {  	s3 =	sand.u32 $0x4000, s31;
	s1 =	sadd.s32 s1, s30  }
0xc1: {  	s0 =	sor.u32 s3, s0;
	s1 =	sshll.u32 s1, $0x11  }
0xc2: {  	s0 =	sor.u32 s1, s0  }
0xc3: {  	s0 =	sadd.s32 $0x8F2B, s0  }
0xc4: {  	[sflag:s0] =	ssyncadd.remote.s32 $0x1  }
0xc5: {  	_ =	sfence.sel $0xFFFF  }
0xc6: {  	[dreg:$0x0] =	wrdreg $0xFFFFFFFF;
	(pc) =	sbr.abs _section_cstart, $3  }
0xc7: {  	[dreg:$0x1] =	wrdreg $0xFFFFFFFF  }
0xc8: {  	_ =	task.clear_ibuf [dreg:s7], $0x2FFFF;
	_ =	strace $0x9FFFFFFF  }
0xc9: {  	(tm) =	ssettm $0x7FFFFFFF  }
tec
execute0_lowered:
.L_overlay_start_1:
0x0: {  	(tag) =	ssettag $0x1  }
0x1: {  	s5 =	rddreg [dreg:$0x0]  }
0x2: {  	s7 =	rddreg [dreg:$0x1]  }
0x3: {  	s0 =	srdreg.scid;
	s2 =	rddreg [dreg:$0x2]  }
0x4: {  	s3 =	simm.s32 $0x0;
	s14 =	simm.s32 $0x80;
	s15 =	simm.s32 $0x5000  }
0x5: {  	s16 =	simm.s32 $0x1;
	s6 =	sand.u32 $0x1, s0;
	s0 =	stileid.u32  }
0x6: {  	s17 =	simm.s32 $0x0;
	[smem:$0x7FF] =	sst s3;
	s9 =	smul.u32 $0x2800, s0  }
0x7: {  	s1 =	sshll.u32 s6, $0x4;
	s10 =	smul.u32 $0x28000, s6;
	s6 =	ssub.s32 $0x2, s6  }
0x8: {  	s12 =	smul.u32 $0x50000, s0;
	s31 =	sshll.u32 s0, $0x6;
	s4 =	sor.u32 s0, s1  }
0x9: {  	s1 =	rddreg [dreg:$0x3];
	_ =	strace $0x8000004A;
	s29 =	sshrl.u32 s6, $0x1  }
0xa: {  	s8 =	smul.u32 $0x500, s4;
	s4 =	sadd.s32 $0x2A800, s5;
	s13 =	sadd.s32 s9, s5  }
0xb: {  	s9 =	sadd.s32 s9, s10;
	s10 =	ssub.s32 s6, s29;
	s30 =	sshrl.u32 s12, $0x2  }
0xc: {  	s6 =	sor.u32 $0x1C02, s31;
	s9 =	sadd.s32 s9, s5;
	s12 =	sadd.s32 s30, s2  }
0xd: {  	s10 =	smax.u32 s10, $0x1;
	s11 =	sadd.s32 s8, s5;
	s5 =	sadd.s32 $0x2800, s13  }
0xe: {  	s7 =	sadd.s32 s7, s8;
	s9 =	sadd.s32 $0xAC800, s9;
	s13 =	simm.s32 $0x2800  }
0xf: {  	s8 =	sadd.s32 $0x7A800, s11;
	s11 =	sshrl.u32 s12, $0x3;
	s12 =	simm.s32 $0x2  }
.LBB2_1:
0x10: {  	[spmem:s11], [sflag:s6] =	dma.local [hbm:s5], $0x2800  }
0x11: {  	_ =	swait.ge [sflag:s12], $0x2800  }
0x12: {  	[sflag:s12] =	ssyncset.done $0x0  }
0x13: {  	[sflag:s12] =	ssyncadd.s32 $0xFFFFD800  }
0x14: {  	[tilespmem:s3], [sflag:$0x2] =	stream.linear.gather [hbm4b:s7+s3], $0x2780, $0x38;
	[tilespmem:$0x1D000] =	vst v63  }
0x15: {  	_ =	swait.ge [sflag:s12], $0x2780  }
0x16: {  	[sflag:s12] =	ssyncset.done $0x0  }
0x17: {  	[sflag:s12] =	ssyncadd.s32 $0xFFFFD880  }
0x18: {  	[tilespmem:s13], [sflag:$0x2] =	stream.linear.gather [hbm4b:s8+s3], $0x2780, $0x38;
	[tilespmem:$0x1D000] =	vst v63  }
0x19: {  	_ =	swait.ge [sflag:s12], $0x2780  }
0x1a: {  	[sflag:s12] =	ssyncset.done $0x0  }
0x1b: {  	[sflag:s12] =	ssyncadd.s32 $0xFFFFD880  }
0x1c: {  	s18 =	simm.s32 $0x0;
	[bflag:$0x0] =	sbarrier.arrive $0xFFFF  }
0x1d: {  	[tilespmem:s15], [sflag:$0x1] =	stream.indirect.gather [hbm4b:s4+s14], $0x80, s18, s14, $0xb8;
	[tilespmem:$0x1D000] =	vst v63  }
0x1e: {  	_ =	swait.ge [sflag:s16], $0x4000  }
0x1f: {  	[sflag:s16] =	ssyncset.done $0x0  }
0x20: {  	s31 =	simm.s32 $0x2800;
	[sflag:s16] =	ssyncadd.s32 $0xFFFFC000  }
0x21: {  	[spmem:s2] =	stream.indirect.scatter.add.f32 [tilespmem:s15], [sflag:$0x2], $0x80, s31, s14, $0xb8;
	[tilespmem:$0x1D000] =	vst v63  }
0x22: {  	_ =	swait.ge [sflag:s12], $0x4000  }
0x23: {  	s19 =	simm.s32 $0x400;
	s18 =	simm.s32 $0x200;
	[sflag:s12] =	ssyncset.done $0x0  }
.LBB2_2:
0x24: {  	s20 =	sshra.s32 s18, $0x2  }
0x25: {  	[sflag:s12] =	ssyncadd.s32 $0xFFFFC000;
	s18 =	smov.u32 s19;
	s21 =	sadd.s32 $0x200, s19  }
0x26: {  	[tilespmem:s15], [sflag:$0x1] =	stream.indirect.gather [hbm4b:s4+s14], $0x80, s20, s14, $0xb8;
	[tilespmem:$0x1D000] =	vst v63  }
0x27: {  	p0 =	sne.s32 s19, $0x9C00;
	_ =	swait.ge [sflag:s16], $0x4000  }
.Ltmp0:
0x28: {  	[sflag:s16] =	ssyncset.done $0x0;
	(pc) =	sbr.rel @p0 .LBB2_2-.Ltmp0, $4  }
0x29: {  	s19 =	sadd.s32 $0x2800, s20;
	[sflag:s16] =	ssyncadd.s32 $0xFFFFC000  }
0x2a: {  	[spmem:s2] =	stream.indirect.scatter.add.f32 [tilespmem:s15], [sflag:$0x2], $0x80, s19, s14, $0xb8;
	[tilespmem:$0x1D000] =	vst v63  }
0x2b: {  	_ =	swait.ge [sflag:s12], $0x4000  }
0x2c: {  	s19 =	smov.u32 s21;
	[sflag:s12] =	ssyncset.done $0x0  }
0x2d: {  	s18 =	sshra.s32 s18, $0x2;
	[sflag:s12] =	ssyncadd.s32 $0xFFFFC000  }
0x2e: {  	[tilespmem:s15], [sflag:$0x1] =	stream.indirect.gather [hbm4b:s4+s14], $0x80, s18, s14, $0xb8;
	[tilespmem:$0x1D000] =	vst v63  }
0x2f: {  	_ =	swait.ge [sflag:s16], $0x4000  }
0x30: {  	[sflag:s16] =	ssyncset.done $0x0  }
0x31: {  	s18 =	sadd.s32 $0x2800, s18;
	[sflag:s16] =	ssyncadd.s32 $0xFFFFC000  }
0x32: {  	[spmem:s2] =	stream.indirect.scatter.add.f32 [tilespmem:s15], [sflag:$0x2], $0x80, s18, s14, $0xb8;
	[tilespmem:$0x1D000] =	vst v63  }
0x33: {  	_ =	swait.ge [sflag:s12], $0x4000  }
0x34: {  	s17 =	sadd.s32 $0x1, s17;
	[sflag:s12] =	ssyncset.done $0x0  }
0x35: {  	p0 =	sne.s32 s17, s10;
	[sflag:s12] =	ssyncadd.s32 $0xFFFFC000  }
.Ltmp1:
0x36: {  	[bflag:$0x0] =	sbarrier.arrive $0xFFFF;
	(pc) =	sbr.rel @p0 .LBB2_1-.Ltmp1, $4  }
0x37: {  	[hbm:s9], [sflag:s6] =	dma.local [spmem:s11], $0x2800  }
0x38: {  	_ =	swait.ge [sflag:s12], $0x2800  }
0x39: {  	[sflag:s12] =	ssyncset.done $0x0  }
0x3a: {  	[sflag:s12] =	ssyncadd.s32 $0xFFFFD800  }
0x3b: {  	_ =	sfence.sel $0x180000  }
0x3c: {  	[bflag:$0x0] =	sbarrier.arrive $0xFFFF  }
0x3d: {  	p0 =	sne.s32 s0, $0x0;
	_ =	strace $0x9000004A  }
0x3e: {  	s0 =	sadd.s32 @!p0 $0x100000, s1;
	[bflag:$0x2] =	sbarrier.arrive $0xFFFF  }
0x3f: {  	[sflag:s0] =	ssyncadd.tile.s32 @!p0 $0x1;
	_ =	shalt  }
.Lfunc_end2:
_tile_overlayer_lowered:
.L_overlay_start_2:
0x40: {  	(tag) =	ssettag $0x2  }
0x41: {  	s0 =	rddreg [dreg:$0x0];
	s2 =	stileid.u32  }
0x42: {  	s1 =	rddreg [dreg:$0x1];
	p0 =	sne.s32 s2, $0x0  }
0x43: {  	s3 =	rddreg [dreg:$0x2];
	[bflag:$0x3] =	sbarrier.arrive $0xFFFF;
	s2 =	simm.s32 @!p0 $0x1C02  }
0x44: {  	[timem:s3], [sflag:s2] =	dma.local @!p0 [hbm:s0], s1  }
0x45: {  	s0 =	simm.s32 @!p0 $0x2  }
0x46: {  	_ =	swait.ge @!p0 [sflag:s0], s1  }
0x47: {  	s1 =	ssub.s32 @!p0 $0x0, s1;
	[sflag:s0] =	ssyncset.done @!p0 $0x0  }
0x48: {  	[sflag:s0] =	ssyncadd.s32 @!p0 s1  }
0x49: {  	[bflag:$0x3] =	sbarrier.arrive $0xFFFF  }
0x4a: {  	_ =	shalt  }

// kernel: kernel.16.cloned.1.call-start
scs
__scs_entry_jumppad:
0x0: {  	(pc) =	sbr.rel $0x88, $3  }
0x1: {  	(tag) =	ssettag $0x0;
	lr =	simm.s32 $0x1  }
0x2: {  	[smem:$0x3F9F] =	sst lr;
	_ =	strace $0xD0000000  }
0x3: {  	_ = 	snop  }
0x4: {  	_ = 	snop  }
0x5: {  	_ = 	snop  }
0x6: {  	_ = 	snop  }
0x7: {  	_ = 	snop  }
__scs_overlays_trampoline_lowered:
0x8: {  	[smem:$0x3FAE] =	sst s0  }
0x9: {  	[smem:$0x3FAF] =	sst s1  }
0xa: {  	[smem:$0x3FB0] =	sst s2  }
0xb: {  	[smem:$0x3FB1] =	sst s3  }
0xc: {  	[smem:$0x3FB2] =	sst s4  }
0xd: {  	[smem:$0x3FB3] =	sst s5  }
0xe: {  	[smem:$0x3FB4] =	sst s6  }
0xf: {  	[smem:$0x3FB5] =	sst s7  }
0x10: {  	[smem:$0x3FB6] =	sst s8  }
0x11: {  	[smem:$0x3FB7] =	sst s9;
	s0 =	simm.s32 @!p0 $0x0  }
0x12: {  	s1 =	sld [smem:$0x3F9D];
	s0 =	simm.s32 @p0 $0x1  }
0x13: {  	[smem:$0x3FB8] =	sst s0;
	s0 =	simm.s32 @!p1 $0x0  }
0x14: {  	s2 =	sld [smem:$0x3F9C];
	s0 =	simm.s32 @p1 $0x1  }
0x15: {  	[smem:$0x3FB9] =	sst s0;
	s0 =	simm.s32 @!p2 $0x0  }
0x16: {  	s3 =	sld [smem:$0x3FDB];
	s0 =	simm.s32 @p2 $0x1  }
0x17: {  	s4 =	simm.s32 $0x1BF5;
	[smem:$0x3FBB] =	sst s0  }
0x18: {  	s0 =	sld [smem:$0x3F9E];
	_ =	swait.ge [sflag:s4], $0x0  }
0x19: {  	s7 =	sld [smem:$0x3F9F]  }
0x1a: {  	s8 =	sadd.s32 $0xFFFFE003, lr  }
0x1b: {  	s9 =	sadd.s32 $0xFFFFFEF7, lr;
	s5 =	simm.s32 $0xFFFFFFFF;
	p2 =	slt.u32 s8, $0xFFFFF086  }
0x1c: {  	p1 =	slt.u32 s9, $0xF7A;
	s5 =	simm.s32 @!p2 $0x0  }
0x1d: {  	s5 =	simm.s32 @p1 $0x1;
	p0 =	seq.s32 s7, s2  }
0x1e: {  	s7 =	smul.u32 @!p0 $0xF7A, s2;
	p2 =	seq.s32 @!p0 s5, $0x0  }
0x1f: {  	s9 =	smul.u32 $0xF7A, s1;
	s8 =	simm.s32 @!p0 $0x1BF5;
	p2 =	por !p2, p0  }
0x20: {  	[sflag:s8] =	ssyncset.s32 @!p0 $0xFFFFF086;
	s6 =	sadd.s32 @!p0 s3, s7;
	s7 =	simm.s32 @!p0 $0x108  }
0x21: {  	s3 =	sadd.s32 s3, s9;
	s6 =	sadd.s32 @!p0 $0x88, s6;
	s7 =	simm.s32 @p2 $0x1082  }
0x22: {  	[simem:s7], [sflag:s8] =	dma.local @!p0 [hbm:s6], $0xF7A  }
0x23: {  	s9 =	sor.u32 $0xD0000000, s2;
	s6 =	simm.s32 $0x108;
	_ =	swait.ge @!p0 [sflag:s8], $0x0  }
0x24: {  	s3 =	sadd.s32 $0x88, s3;
	s6 =	simm.s32 @!p1 $0x1082;
	[sflag:s4] =	ssyncset.s32 $0xFFFFF086  }
0x25: {  	[simem:s6], [sflag:s4] =	dma.local [hbm:s3], $0xF7A  }
0x26: {  	[smem:$0x3F9F] =	sst s1;
	(tag) =	ssettag s2;
	_ =	strace s9  }
0x27: {  	s1 =	sld [smem:$0x3FAF]  }
0x28: {  	s2 =	sld [smem:$0x3FB0]  }
0x29: {  	s4 =	sld [smem:$0x3FB2]  }
0x2a: {  	p0 =	seq.s32 s5, $0x0;
	s5 =	sld [smem:$0x3FB3]  }
0x2b: {  	s6 =	sld [smem:$0x3FB4]  }
0x2c: {  	s7 =	sld [smem:$0x3FB5]  }
0x2d: {  	s3 =	simm.s32 $0x108;
	s8 =	sld [smem:$0x3FB6]  }
0x2e: {  	s3 =	simm.s32 @!p0 $0x1082;
	s9 =	sld [smem:$0x3FB7]  }
0x2f: {  	lr =	sadd.s32 s0, s3;
	s0 =	sld [smem:$0x3FAE]  }
0x30: {  	s3 =	sld [smem:$0x3FB1]  }
0x31: {  	[smem:$0x3FBA] =	sst s10  }
0x32: {  	s10 =	sld [smem:$0x3FB8];
	_ =	sdelay $0x3  }
0x33: {  	p0 =	seq.s32 s10, $0x1;
	s10 =	sld [smem:$0x3FBA];
	_ =	sdelay $0x3  }
0x34: {  	[smem:$0x3FBA] =	sst s10  }
0x35: {  	s10 =	sld [smem:$0x3FB9];
	_ =	sdelay $0x3  }
0x36: {  	p1 =	seq.s32 s10, $0x1;
	s10 =	sld [smem:$0x3FBA];
	_ =	sdelay $0x3  }
0x37: {  	[smem:$0x3FBA] =	sst s10  }
0x38: {  	s10 =	sld [smem:$0x3FBB]  }
0x39: {  	_ = 	snop;
	(pc) =	sbr.ind lr, $3  }
0x3a: {  	_ = 	snop  }
0x3b: {  	_ = 	snop  }
0x3c: {  	p2 =	seq.s32 s10, $0x1;
	s10 =	sld [smem:$0x3FBA]  }
0x3d: {  	_ =	shalt  }
0x3e: {  	_ =	shalt  }
0x3f: {  	_ =	shalt  }
0x40: {  	_ =	shalt  }
0x41: {  	_ =	shalt  }
0x42: {  	_ =	shalt  }
0x43: {  	_ =	shalt  }
0x44: {  	_ =	shalt  }
0x45: {  	_ =	shalt  }
0x46: {  	_ =	shalt  }
0x47: {  	_ =	shalt  }
0x48: {  	_ =	shalt  }
0x49: {  	_ =	shalt  }
0x4a: {  	_ =	shalt  }
0x4b: {  	_ =	shalt  }
0x4c: {  	_ =	shalt  }
0x4d: {  	_ =	shalt  }
0x4e: {  	_ =	shalt  }
0x4f: {  	_ =	shalt  }
0x50: {  	_ =	shalt  }
0x51: {  	_ =	shalt  }
0x52: {  	_ =	shalt  }
0x53: {  	_ =	shalt  }
0x54: {  	_ =	shalt  }
0x55: {  	_ =	shalt  }
0x56: {  	_ =	shalt  }
0x57: {  	_ =	shalt  }
0x58: {  	_ =	shalt  }
0x59: {  	_ =	shalt  }
0x5a: {  	_ =	shalt  }
0x5b: {  	_ =	shalt  }
0x5c: {  	_ =	shalt  }
0x5d: {  	_ =	shalt  }
0x5e: {  	_ =	shalt  }
0x5f: {  	_ =	shalt  }
0x60: {  	_ =	shalt  }
0x61: {  	_ =	shalt  }
0x62: {  	_ =	shalt  }
0x63: {  	_ =	shalt  }
0x64: {  	_ =	shalt  }
0x65: {  	_ =	shalt  }
0x66: {  	_ =	shalt  }
0x67: {  	_ =	shalt  }
0x68: {  	_ =	shalt  }
0x69: {  	_ =	shalt  }
0x6a: {  	_ =	shalt  }
0x6b: {  	_ =	shalt  }
0x6c: {  	_ =	shalt  }
0x6d: {  	_ =	shalt  }
0x6e: {  	_ =	shalt  }
0x6f: {  	_ =	shalt  }
0x70: {  	_ =	shalt  }
0x71: {  	_ =	shalt  }
0x72: {  	_ =	shalt  }
0x73: {  	_ =	shalt  }
0x74: {  	_ =	shalt  }
0x75: {  	_ =	shalt  }
0x76: {  	_ =	shalt  }
0x77: {  	_ =	shalt  }
0x78: {  	_ =	shalt  }
0x79: {  	_ =	shalt  }
0x7a: {  	_ =	shalt  }
0x7b: {  	_ =	shalt  }
0x7c: {  	_ =	shalt  }
0x7d: {  	_ =	shalt  }
0x7e: {  	_ =	shalt  }
0x7f: {  	_ =	shalt  }
0x80: {  	_ =	shalt  }
0x81: {  	_ =	shalt  }
0x82: {  	_ =	shalt  }
0x83: {  	_ =	shalt  }
0x84: {  	_ =	shalt  }
0x85: {  	_ =	shalt  }
0x86: {  	_ =	shalt  }
0x87: {  	_ =	shalt  }
.Lfunc_end0:
.L_simem_size_0:
called_computation.2_lowered:
.L_overlay_start_0:
0x88: {  	s2 =	sld [smem:$0x3FD9]  }
0x89: {  	s3 =	sld [smem:$0x3FFE];
	_ =	sdelay $0x1  }
0x8a: {  	s1 =	srdreg.scid  }
0x8b: {  	s0 =	sand.u32 $0x1, s1  }
0x8c: {  	s14 =	sshll.u32 s0, $0xA;
	s2 =	sadd.s32 s3, s2  }
0x8d: {  	s2 =	sadd.s32 s2, s14  }
0x8e: {  	[smem:$0x3FC6] =	sst s2  }
0x8f: {  	_ = 	snop  }
0x90: {  	s2 =	sld [smem:$0x3FD0];
	_ =	sdelay $0x2  }
0x91: {  	s15 =	simm.s32 $0xA;
	s4 =	simm.s32 $0x10  }
0x92: {  	[smem:s4], [sflag:s15] =	dma.local [hbm:s2], $0x1  }
0x93: {  	_ =	swait.eq [sflag:s15], $0x1  }
0x94: {  	[sflag:s15] =	ssyncset.done $0x0  }
0x95: {  	[sflag:s15] =	ssyncadd.s32 $0xFFFFFFFF  }
0x96: {  	s16 =	sld [smem:$0x10];
	(tm) =	ssettm $0x1  }
0x97: {  	s17 =	sld [smem:$0x3FFB];
	_ =	sdelay $0x3  }
0x98: {  	_ =	strace s17  }
0x99: {  	s3 =	sld [smem:$0x3FFC];
	_ =	sdelay $0x3  }
0x9a: {  	_ =	strace s3  }
0x9b: {  	s3 =	sld [smem:$0x3FFD];
	_ =	sdelay $0x3  }
0x9c: {  	_ =	strace s3  }
0x9d: {  	_ =	strace $0x8FFFFFFF  }
0x9e: {  	s18 =	sld [smem:$0x3FDB];
	_ =	sdelay $0x1  }
0x9f: {  	s19 =	simm.s32 $_scs_section_size  }
0xa0: {  	s5 =	simm.s32 $_size__tile_overlayer_lowered;
	s6 =	simm.s32 $_tile_overlayer_lowered  }
0xa1: {  	s22 =	simm.s32 $0x1BFF;
	s21 =	sshll.u32 s6, $0x1;
	s3 =	sadd.s32 s19, s18  }
0xa2: {  	s7 =	simm.s32 $0x0;
	s20 =	sshll.u32 s5, $0x1;
	s5 =	sadd.s32 s21, s3  }
0xa3: {  	[timem:s7], [sflag:s22] =	dma.local [hbm:s5], s20  }
0xa4: {  	_ =	swait.ge [sflag:s22], s20  }
0xa5: {  	s4 =	ssub.s32 $0x0, s20;
	[sflag:s22] =	ssyncset.done $0x0  }
0xa6: {  	[sflag:s22] =	ssyncadd.s32 s4;
	_ =	sdelay $0x1  }
0xa7: {  	s23 =	simm.s32 $0x1B8B  }
0xa8: {  	_ =	swait.ge [sflag:s23], $0x1  }
0xa9: {  	[sflag:s23] =	ssyncset.done $0x0  }
0xaa: {  	s25 =	simm.s32 $0x1B8E;
	s24 =	sld [smem:$0x3FFE];
	[sflag:s23] =	ssyncadd.s32 $0xFFFFFFFF  }
0xab: {  	s26 =	simm.s32 $execute0_lowered;
	[smem:$0x3FD2] =	sst s25  }
0xac: {  	s5 =	sshll.u32 s26, $0x1;
	_ =	strace $0x8000004C;
	[dreg:$0x1] =	wrdreg $0xFFFFFFFF  }
0xad: {  	s28 =	simm.s32 $_size_execute0_lowered;
	s3 =	sadd.s32 s3, s5;
	[dreg:$0x0] =	wrdreg $0x0  }
0xae: {  	s5 =	sshll.u32 s28, $0x1;
	[dreg:$0x2] =	wrdreg s3  }
0xaf: {  	[dreg:$0x3] =	wrdreg s5  }
0xb0: {  	[dreg:$0x4] =	wrdreg $0xC0  }
0xb1: {  	_ =	task [dreg:s7], $0x5FFFF  }
0xb2: {  	[dreg:$0x1] =	wrdreg $0xFFFFFFFF  }
0xb3: {  	[dreg:$0x0] =	wrdreg $0x60  }
0xb4: {  	[dreg:$0x2] =	wrdreg s24  }
0xb5: {  	[dreg:$0x3] =	wrdreg s16  }
0xb6: {  	[dreg:$0x4] =	wrdreg $0x90000  }
0xb7: {  	[dreg:$0x5] =	wrdreg $0x9  }
0xb8: {  	_ =	task.clear_ibuf [dreg:s7], $0x6FFFF;
	_ =	strace $0x9000004C  }
0xb9: {  	s29 =	simm.s32 $0x9;
	_ =	strace $0x8000004E  }
0xba: {  	_ =	swait.ge [sflag:s29], $0x1  }
0xbb: {  	[sflag:s29] =	ssyncadd.s32 $0xFFFFFFFF  }
0xbc: {  	_ =	strace $0x9000004E  }
0xbd: {  	_ =	sfence  }
0xbe: {  	s30 =	sld [smem:$0x0];
	_ =	sdelay $0x2  }
0xbf: {  	s31 =	sshll.u32 s1, $0xD;
	s1 =	sshrl.u32 s1, $0x2  }
0xc0: {  	s3 =	sand.u32 $0x4000, s31;
	s1 =	sadd.s32 s1, s30  }
0xc1: {  	s0 =	sor.u32 s3, s0;
	s1 =	sshll.u32 s1, $0x11  }
0xc2: {  	s0 =	sor.u32 s1, s0  }
0xc3: {  	s0 =	sadd.s32 $0x8F2B, s0  }
0xc4: {  	[sflag:s0] =	ssyncadd.remote.s32 $0x1  }
0xc5: {  	_ =	sfence.sel $0xFFFF  }
0xc6: {  	[dreg:$0x0] =	wrdreg $0xFFFFFFFF;
	(pc) =	sbr.abs _section_cstart, $3  }
0xc7: {  	[dreg:$0x1] =	wrdreg $0xFFFFFFFF  }
0xc8: {  	_ =	task.clear_ibuf [dreg:s7], $0x2FFFF;
	_ =	strace $0x9FFFFFFF  }
0xc9: {  	(tm) =	ssettm $0x7FFFFFFF  }
tec
execute0_lowered:
.L_overlay_start_1:
0x0: {  	(tag) =	ssettag $0x1  }
0x1: {  	s5 =	rddreg [dreg:$0x0]  }
0x2: {  	s7 =	rddreg [dreg:$0x1]  }
0x3: {  	s0 =	srdreg.scid;
	s2 =	rddreg [dreg:$0x2]  }
0x4: {  	s3 =	simm.s32 $0x0;
	s14 =	simm.s32 $0x80;
	s15 =	simm.s32 $0x5000  }
0x5: {  	s16 =	simm.s32 $0x1;
	s6 =	sand.u32 $0x1, s0;
	s0 =	stileid.u32  }
0x6: {  	s17 =	simm.s32 $0x0;
	[smem:$0x7FF] =	sst s3;
	s9 =	smul.u32 $0x2800, s0  }
0x7: {  	s1 =	sshll.u32 s6, $0x4;
	s10 =	smul.u32 $0x28000, s6;
	s6 =	ssub.s32 $0x2, s6  }
0x8: {  	s12 =	smul.u32 $0x50000, s0;
	s31 =	sshll.u32 s0, $0x6;
	s4 =	sor.u32 s0, s1  }
0x9: {  	s1 =	rddreg [dreg:$0x3];
	_ =	strace $0x8000004D;
	s29 =	sshrl.u32 s6, $0x1  }
0xa: {  	s8 =	smul.u32 $0x500, s4;
	s4 =	sadd.s32 $0x2A800, s5;
	s13 =	sadd.s32 s9, s5  }
0xb: {  	s9 =	sadd.s32 s9, s10;
	s10 =	ssub.s32 s6, s29;
	s30 =	sshrl.u32 s12, $0x2  }
0xc: {  	s6 =	sor.u32 $0x1C02, s31;
	s9 =	sadd.s32 s9, s5;
	s12 =	sadd.s32 s30, s2  }
0xd: {  	s10 =	smax.u32 s10, $0x1;
	s11 =	sadd.s32 s8, s5;
	s5 =	sadd.s32 $0x2800, s13  }
0xe: {  	s7 =	sadd.s32 s7, s8;
	s9 =	sadd.s32 $0x84800, s9;
	s13 =	simm.s32 $0x2800  }
0xf: {  	s8 =	sadd.s32 $0x7A800, s11;
	s11 =	sshrl.u32 s12, $0x3;
	s12 =	simm.s32 $0x2  }
.LBB2_1:
0x10: {  	[spmem:s11], [sflag:s6] =	dma.local [hbm:s5], $0x2800  }
0x11: {  	_ =	swait.ge [sflag:s12], $0x2800  }
0x12: {  	[sflag:s12] =	ssyncset.done $0x0  }
0x13: {  	[sflag:s12] =	ssyncadd.s32 $0xFFFFD800  }
0x14: {  	[tilespmem:s3], [sflag:$0x2] =	stream.linear.gather [hbm4b:s7+s3], $0x2780, $0x38;
	[tilespmem:$0x1D000] =	vst v63  }
0x15: {  	_ =	swait.ge [sflag:s12], $0x2780  }
0x16: {  	[sflag:s12] =	ssyncset.done $0x0  }
0x17: {  	[sflag:s12] =	ssyncadd.s32 $0xFFFFD880  }
0x18: {  	[tilespmem:s13], [sflag:$0x2] =	stream.linear.gather [hbm4b:s8+s3], $0x2780, $0x38;
	[tilespmem:$0x1D000] =	vst v63  }
0x19: {  	_ =	swait.ge [sflag:s12], $0x2780  }
0x1a: {  	[sflag:s12] =	ssyncset.done $0x0  }
0x1b: {  	[sflag:s12] =	ssyncadd.s32 $0xFFFFD880  }
0x1c: {  	s18 =	simm.s32 $0x0;
	[bflag:$0x0] =	sbarrier.arrive $0xFFFF  }
0x1d: {  	[tilespmem:s15], [sflag:$0x1] =	stream.indirect.gather [hbm4b:s4+s14], $0x80, s18, s14, $0xb8;
	[tilespmem:$0x1D000] =	vst v63  }
0x1e: {  	_ =	swait.ge [sflag:s16], $0x4000  }
0x1f: {  	[sflag:s16] =	ssyncset.done $0x0  }
0x20: {  	s31 =	simm.s32 $0x2800;
	[sflag:s16] =	ssyncadd.s32 $0xFFFFC000  }
0x21: {  	[spmem:s2] =	stream.indirect.scatter.add.f32 [tilespmem:s15], [sflag:$0x2], $0x80, s31, s14, $0xb8;
	[tilespmem:$0x1D000] =	vst v63  }
0x22: {  	_ =	swait.ge [sflag:s12], $0x4000  }
0x23: {  	s19 =	simm.s32 $0x400;
	s18 =	simm.s32 $0x200;
	[sflag:s12] =	ssyncset.done $0x0  }
.LBB2_2:
0x24: {  	s20 =	sshra.s32 s18, $0x2  }
0x25: {  	[sflag:s12] =	ssyncadd.s32 $0xFFFFC000;
	s18 =	smov.u32 s19;
	s21 =	sadd.s32 $0x200, s19  }
0x26: {  	[tilespmem:s15], [sflag:$0x1] =	stream.indirect.gather [hbm4b:s4+s14], $0x80, s20, s14, $0xb8;
	[tilespmem:$0x1D000] =	vst v63  }
0x27: {  	p0 =	sne.s32 s19, $0x9C00;
	_ =	swait.ge [sflag:s16], $0x4000  }
.Ltmp0:
0x28: {  	[sflag:s16] =	ssyncset.done $0x0;
	(pc) =	sbr.rel @p0 .LBB2_2-.Ltmp0, $4  }
0x29: {  	s19 =	sadd.s32 $0x2800, s20;
	[sflag:s16] =	ssyncadd.s32 $0xFFFFC000  }
0x2a: {  	[spmem:s2] =	stream.indirect.scatter.add.f32 [tilespmem:s15], [sflag:$0x2], $0x80, s19, s14, $0xb8;
	[tilespmem:$0x1D000] =	vst v63  }
0x2b: {  	_ =	swait.ge [sflag:s12], $0x4000  }
0x2c: {  	s19 =	smov.u32 s21;
	[sflag:s12] =	ssyncset.done $0x0  }
0x2d: {  	s18 =	sshra.s32 s18, $0x2;
	[sflag:s12] =	ssyncadd.s32 $0xFFFFC000  }
0x2e: {  	[tilespmem:s15], [sflag:$0x1] =	stream.indirect.gather [hbm4b:s4+s14], $0x80, s18, s14, $0xb8;
	[tilespmem:$0x1D000] =	vst v63  }
0x2f: {  	_ =	swait.ge [sflag:s16], $0x4000  }
0x30: {  	[sflag:s16] =	ssyncset.done $0x0  }
0x31: {  	s18 =	sadd.s32 $0x2800, s18;
	[sflag:s16] =	ssyncadd.s32 $0xFFFFC000  }
0x32: {  	[spmem:s2] =	stream.indirect.scatter.add.f32 [tilespmem:s15], [sflag:$0x2], $0x80, s18, s14, $0xb8;
	[tilespmem:$0x1D000] =	vst v63  }
0x33: {  	_ =	swait.ge [sflag:s12], $0x4000  }
0x34: {  	s17 =	sadd.s32 $0x1, s17;
	[sflag:s12] =	ssyncset.done $0x0  }
0x35: {  	p0 =	sne.s32 s17, s10;
	[sflag:s12] =	ssyncadd.s32 $0xFFFFC000  }
.Ltmp1:
0x36: {  	[bflag:$0x0] =	sbarrier.arrive $0xFFFF;
	(pc) =	sbr.rel @p0 .LBB2_1-.Ltmp1, $4  }
0x37: {  	[hbm:s9], [sflag:s6] =	dma.local [spmem:s11], $0x2800  }
0x38: {  	_ =	swait.ge [sflag:s12], $0x2800  }
0x39: {  	[sflag:s12] =	ssyncset.done $0x0  }
0x3a: {  	[sflag:s12] =	ssyncadd.s32 $0xFFFFD800  }
0x3b: {  	_ =	sfence.sel $0x180000  }
0x3c: {  	[bflag:$0x0] =	sbarrier.arrive $0xFFFF  }
0x3d: {  	p0 =	sne.s32 s0, $0x0;
	_ =	strace $0x9000004D  }
0x3e: {  	s0 =	sadd.s32 @!p0 $0x100000, s1;
	[bflag:$0x2] =	sbarrier.arrive $0xFFFF  }
0x3f: {  	[sflag:s0] =	ssyncadd.tile.s32 @!p0 $0x1;
	_ =	shalt  }
.Lfunc_end2:
_tile_overlayer_lowered:
.L_overlay_start_2:
0x40: {  	(tag) =	ssettag $0x2  }
0x41: {  	s0 =	rddreg [dreg:$0x0];
	s2 =	stileid.u32  }
0x42: {  	s1 =	rddreg [dreg:$0x1];
	p0 =	sne.s32 s2, $0x0  }
0x43: {  	s3 =	rddreg [dreg:$0x2];
	[bflag:$0x3] =	sbarrier.arrive $0xFFFF;
	s2 =	simm.s32 @!p0 $0x1C02  }
0x44: {  	[timem:s3], [sflag:s2] =	dma.local @!p0 [hbm:s0], s1  }
0x45: {  	s0 =	simm.s32 @!p0 $0x2  }
0x46: {  	_ =	swait.ge @!p0 [sflag:s0], s1  }
0x47: {  	s1 =	ssub.s32 @!p0 $0x0, s1;
	[sflag:s0] =	ssyncset.done @!p0 $0x0  }
0x48: {  	[sflag:s0] =	ssyncadd.s32 @!p0 s1  }
0x49: {  	[bflag:$0x3] =	sbarrier.arrive $0xFFFF  }
0x4a: {  	_ =	shalt  }

// kernel: kernel.19.cloned.1.call-start
scs
__scs_entry_jumppad:
0x0: {  	(pc) =	sbr.rel $0x88, $3  }
0x1: {  	(tag) =	ssettag $0x0;
	lr =	simm.s32 $0x1  }
0x2: {  	[smem:$0x3F9F] =	sst lr;
	_ =	strace $0xD0000000  }
0x3: {  	_ = 	snop  }
0x4: {  	_ = 	snop  }
0x5: {  	_ = 	snop  }
0x6: {  	_ = 	snop  }
0x7: {  	_ = 	snop  }
__scs_overlays_trampoline_lowered:
0x8: {  	[smem:$0x3FAE] =	sst s0  }
0x9: {  	[smem:$0x3FAF] =	sst s1  }
0xa: {  	[smem:$0x3FB0] =	sst s2  }
0xb: {  	[smem:$0x3FB1] =	sst s3  }
0xc: {  	[smem:$0x3FB2] =	sst s4  }
0xd: {  	[smem:$0x3FB3] =	sst s5  }
0xe: {  	[smem:$0x3FB4] =	sst s6  }
0xf: {  	[smem:$0x3FB5] =	sst s7  }
0x10: {  	[smem:$0x3FB6] =	sst s8  }
0x11: {  	[smem:$0x3FB7] =	sst s9;
	s0 =	simm.s32 @!p0 $0x0  }
0x12: {  	s1 =	sld [smem:$0x3F9D];
	s0 =	simm.s32 @p0 $0x1  }
0x13: {  	[smem:$0x3FB8] =	sst s0;
	s0 =	simm.s32 @!p1 $0x0  }
0x14: {  	s2 =	sld [smem:$0x3F9C];
	s0 =	simm.s32 @p1 $0x1  }
0x15: {  	[smem:$0x3FB9] =	sst s0;
	s0 =	simm.s32 @!p2 $0x0  }
0x16: {  	s3 =	sld [smem:$0x3FDB];
	s0 =	simm.s32 @p2 $0x1  }
0x17: {  	s4 =	simm.s32 $0x1BF5;
	[smem:$0x3FBB] =	sst s0  }
0x18: {  	s0 =	sld [smem:$0x3F9E];
	_ =	swait.ge [sflag:s4], $0x0  }
0x19: {  	s7 =	sld [smem:$0x3F9F]  }
0x1a: {  	s8 =	sadd.s32 $0xFFFFE003, lr  }
0x1b: {  	s9 =	sadd.s32 $0xFFFFFEF7, lr;
	s5 =	simm.s32 $0xFFFFFFFF;
	p2 =	slt.u32 s8, $0xFFFFF086  }
0x1c: {  	p1 =	slt.u32 s9, $0xF7A;
	s5 =	simm.s32 @!p2 $0x0  }
0x1d: {  	s5 =	simm.s32 @p1 $0x1;
	p0 =	seq.s32 s7, s2  }
0x1e: {  	s7 =	smul.u32 @!p0 $0xF7A, s2;
	p2 =	seq.s32 @!p0 s5, $0x0  }
0x1f: {  	s9 =	smul.u32 $0xF7A, s1;
	s8 =	simm.s32 @!p0 $0x1BF5;
	p2 =	por !p2, p0  }
0x20: {  	[sflag:s8] =	ssyncset.s32 @!p0 $0xFFFFF086;
	s6 =	sadd.s32 @!p0 s3, s7;
	s7 =	simm.s32 @!p0 $0x108  }
0x21: {  	s3 =	sadd.s32 s3, s9;
	s6 =	sadd.s32 @!p0 $0x88, s6;
	s7 =	simm.s32 @p2 $0x1082  }
0x22: {  	[simem:s7], [sflag:s8] =	dma.local @!p0 [hbm:s6], $0xF7A  }
0x23: {  	s9 =	sor.u32 $0xD0000000, s2;
	s6 =	simm.s32 $0x108;
	_ =	swait.ge @!p0 [sflag:s8], $0x0  }
0x24: {  	s3 =	sadd.s32 $0x88, s3;
	s6 =	simm.s32 @!p1 $0x1082;
	[sflag:s4] =	ssyncset.s32 $0xFFFFF086  }
0x25: {  	[simem:s6], [sflag:s4] =	dma.local [hbm:s3], $0xF7A  }
0x26: {  	[smem:$0x3F9F] =	sst s1;
	(tag) =	ssettag s2;
	_ =	strace s9  }
0x27: {  	s1 =	sld [smem:$0x3FAF]  }
0x28: {  	s2 =	sld [smem:$0x3FB0]  }
0x29: {  	s4 =	sld [smem:$0x3FB2]  }
0x2a: {  	p0 =	seq.s32 s5, $0x0;
	s5 =	sld [smem:$0x3FB3]  }
0x2b: {  	s6 =	sld [smem:$0x3FB4]  }
0x2c: {  	s7 =	sld [smem:$0x3FB5]  }
0x2d: {  	s3 =	simm.s32 $0x108;
	s8 =	sld [smem:$0x3FB6]  }
0x2e: {  	s3 =	simm.s32 @!p0 $0x1082;
	s9 =	sld [smem:$0x3FB7]  }
0x2f: {  	lr =	sadd.s32 s0, s3;
	s0 =	sld [smem:$0x3FAE]  }
0x30: {  	s3 =	sld [smem:$0x3FB1]  }
0x31: {  	[smem:$0x3FBA] =	sst s10  }
0x32: {  	s10 =	sld [smem:$0x3FB8];
	_ =	sdelay $0x3  }
0x33: {  	p0 =	seq.s32 s10, $0x1;
	s10 =	sld [smem:$0x3FBA];
	_ =	sdelay $0x3  }
0x34: {  	[smem:$0x3FBA] =	sst s10  }
0x35: {  	s10 =	sld [smem:$0x3FB9];
	_ =	sdelay $0x3  }
0x36: {  	p1 =	seq.s32 s10, $0x1;
	s10 =	sld [smem:$0x3FBA];
	_ =	sdelay $0x3  }
0x37: {  	[smem:$0x3FBA] =	sst s10  }
0x38: {  	s10 =	sld [smem:$0x3FBB]  }
0x39: {  	_ = 	snop;
	(pc) =	sbr.ind lr, $3  }
0x3a: {  	_ = 	snop  }
0x3b: {  	_ = 	snop  }
0x3c: {  	p2 =	seq.s32 s10, $0x1;
	s10 =	sld [smem:$0x3FBA]  }
0x3d: {  	_ =	shalt  }
0x3e: {  	_ =	shalt  }
0x3f: {  	_ =	shalt  }
0x40: {  	_ =	shalt  }
0x41: {  	_ =	shalt  }
0x42: {  	_ =	shalt  }
0x43: {  	_ =	shalt  }
0x44: {  	_ =	shalt  }
0x45: {  	_ =	shalt  }
0x46: {  	_ =	shalt  }
0x47: {  	_ =	shalt  }
0x48: {  	_ =	shalt  }
0x49: {  	_ =	shalt  }
0x4a: {  	_ =	shalt  }
0x4b: {  	_ =	shalt  }
0x4c: {  	_ =	shalt  }
0x4d: {  	_ =	shalt  }
0x4e: {  	_ =	shalt  }
0x4f: {  	_ =	shalt  }
0x50: {  	_ =	shalt  }
0x51: {  	_ =	shalt  }
0x52: {  	_ =	shalt  }
0x53: {  	_ =	shalt  }
0x54: {  	_ =	shalt  }
0x55: {  	_ =	shalt  }
0x56: {  	_ =	shalt  }
0x57: {  	_ =	shalt  }
0x58: {  	_ =	shalt  }
0x59: {  	_ =	shalt  }
0x5a: {  	_ =	shalt  }
0x5b: {  	_ =	shalt  }
0x5c: {  	_ =	shalt  }
0x5d: {  	_ =	shalt  }
0x5e: {  	_ =	shalt  }
0x5f: {  	_ =	shalt  }
0x60: {  	_ =	shalt  }
0x61: {  	_ =	shalt  }
0x62: {  	_ =	shalt  }
0x63: {  	_ =	shalt  }
0x64: {  	_ =	shalt  }
0x65: {  	_ =	shalt  }
0x66: {  	_ =	shalt  }
0x67: {  	_ =	shalt  }
0x68: {  	_ =	shalt  }
0x69: {  	_ =	shalt  }
0x6a: {  	_ =	shalt  }
0x6b: {  	_ =	shalt  }
0x6c: {  	_ =	shalt  }
0x6d: {  	_ =	shalt  }
0x6e: {  	_ =	shalt  }
0x6f: {  	_ =	shalt  }
0x70: {  	_ =	shalt  }
0x71: {  	_ =	shalt  }
0x72: {  	_ =	shalt  }
0x73: {  	_ =	shalt  }
0x74: {  	_ =	shalt  }
0x75: {  	_ =	shalt  }
0x76: {  	_ =	shalt  }
0x77: {  	_ =	shalt  }
0x78: {  	_ =	shalt  }
0x79: {  	_ =	shalt  }
0x7a: {  	_ =	shalt  }
0x7b: {  	_ =	shalt  }
0x7c: {  	_ =	shalt  }
0x7d: {  	_ =	shalt  }
0x7e: {  	_ =	shalt  }
0x7f: {  	_ =	shalt  }
0x80: {  	_ =	shalt  }
0x81: {  	_ =	shalt  }
0x82: {  	_ =	shalt  }
0x83: {  	_ =	shalt  }
0x84: {  	_ =	shalt  }
0x85: {  	_ =	shalt  }
0x86: {  	_ =	shalt  }
0x87: {  	_ =	shalt  }
.Lfunc_end0:
.L_simem_size_0:
called_computation.3_lowered:
.L_overlay_start_0:
0x88: {  	s2 =	sld [smem:$0x3FD9]  }
0x89: {  	s3 =	sld [smem:$0x3FFE];
	_ =	sdelay $0x1  }
0x8a: {  	s1 =	srdreg.scid  }
0x8b: {  	s0 =	sand.u32 $0x1, s1  }
0x8c: {  	s14 =	sshll.u32 s0, $0xA;
	s2 =	sadd.s32 s3, s2  }
0x8d: {  	s2 =	sadd.s32 s2, s14  }
0x8e: {  	[smem:$0x3FC6] =	sst s2  }
0x8f: {  	_ = 	snop  }
0x90: {  	s2 =	sld [smem:$0x3FD0];
	_ =	sdelay $0x2  }
0x91: {  	s15 =	simm.s32 $0xA;
	s4 =	simm.s32 $0x10  }
0x92: {  	[smem:s4], [sflag:s15] =	dma.local [hbm:s2], $0x1  }
0x93: {  	_ =	swait.eq [sflag:s15], $0x1  }
0x94: {  	[sflag:s15] =	ssyncset.done $0x0  }
0x95: {  	[sflag:s15] =	ssyncadd.s32 $0xFFFFFFFF  }
0x96: {  	s16 =	sld [smem:$0x10];
	(tm) =	ssettm $0x1  }
0x97: {  	s17 =	sld [smem:$0x3FFB];
	_ =	sdelay $0x3  }
0x98: {  	_ =	strace s17  }
0x99: {  	s3 =	sld [smem:$0x3FFC];
	_ =	sdelay $0x3  }
0x9a: {  	_ =	strace s3  }
0x9b: {  	s3 =	sld [smem:$0x3FFD];
	_ =	sdelay $0x3  }
0x9c: {  	_ =	strace s3  }
0x9d: {  	_ =	strace $0x8FFFFFFF  }
0x9e: {  	s18 =	sld [smem:$0x3FDB];
	_ =	sdelay $0x1  }
0x9f: {  	s19 =	simm.s32 $_scs_section_size  }
0xa0: {  	s5 =	simm.s32 $_size__tile_overlayer_lowered;
	s6 =	simm.s32 $_tile_overlayer_lowered  }
0xa1: {  	s22 =	simm.s32 $0x1BFF;
	s21 =	sshll.u32 s6, $0x1;
	s3 =	sadd.s32 s19, s18  }
0xa2: {  	s7 =	simm.s32 $0x0;
	s20 =	sshll.u32 s5, $0x1;
	s5 =	sadd.s32 s21, s3  }
0xa3: {  	[timem:s7], [sflag:s22] =	dma.local [hbm:s5], s20  }
0xa4: {  	_ =	swait.ge [sflag:s22], s20  }
0xa5: {  	s4 =	ssub.s32 $0x0, s20;
	[sflag:s22] =	ssyncset.done $0x0  }
0xa6: {  	[sflag:s22] =	ssyncadd.s32 s4;
	_ =	sdelay $0x1  }
0xa7: {  	s23 =	simm.s32 $0x1B8B  }
0xa8: {  	_ =	swait.ge [sflag:s23], $0x1  }
0xa9: {  	[sflag:s23] =	ssyncset.done $0x0  }
0xaa: {  	s25 =	simm.s32 $0x1B8E;
	s24 =	sld [smem:$0x3FFE];
	[sflag:s23] =	ssyncadd.s32 $0xFFFFFFFF  }
0xab: {  	s26 =	simm.s32 $execute0_lowered;
	[smem:$0x3FD2] =	sst s25  }
0xac: {  	s5 =	sshll.u32 s26, $0x1;
	_ =	strace $0x8000004F;
	[dreg:$0x1] =	wrdreg $0xFFFFFFFF  }
0xad: {  	s28 =	simm.s32 $_size_execute0_lowered;
	s3 =	sadd.s32 s3, s5;
	[dreg:$0x0] =	wrdreg $0x0  }
0xae: {  	s5 =	sshll.u32 s28, $0x1;
	[dreg:$0x2] =	wrdreg s3  }
0xaf: {  	[dreg:$0x3] =	wrdreg s5  }
0xb0: {  	[dreg:$0x4] =	wrdreg $0xC0  }
0xb1: {  	_ =	task [dreg:s7], $0x5FFFF  }
0xb2: {  	[dreg:$0x1] =	wrdreg $0xFFFFFFFF  }
0xb3: {  	[dreg:$0x0] =	wrdreg $0x60  }
0xb4: {  	[dreg:$0x2] =	wrdreg s24  }
0xb5: {  	[dreg:$0x3] =	wrdreg s16  }
0xb6: {  	[dreg:$0x4] =	wrdreg $0x90000  }
0xb7: {  	[dreg:$0x5] =	wrdreg $0x9  }
0xb8: {  	_ =	task.clear_ibuf [dreg:s7], $0x6FFFF;
	_ =	strace $0x9000004F  }
0xb9: {  	s29 =	simm.s32 $0x9;
	_ =	strace $0x80000051  }
0xba: {  	_ =	swait.ge [sflag:s29], $0x1  }
0xbb: {  	[sflag:s29] =	ssyncadd.s32 $0xFFFFFFFF  }
0xbc: {  	_ =	strace $0x90000051  }
0xbd: {  	_ =	sfence  }
0xbe: {  	s30 =	sld [smem:$0x0];
	_ =	sdelay $0x2  }
0xbf: {  	s31 =	sshll.u32 s1, $0xD;
	s1 =	sshrl.u32 s1, $0x2  }
0xc0: {  	s3 =	sand.u32 $0x4000, s31;
	s1 =	sadd.s32 s1, s30  }
0xc1: {  	s0 =	sor.u32 s3, s0;
	s1 =	sshll.u32 s1, $0x11  }
0xc2: {  	s0 =	sor.u32 s1, s0  }
0xc3: {  	s0 =	sadd.s32 $0x8F2B, s0  }
0xc4: {  	[sflag:s0] =	ssyncadd.remote.s32 $0x1  }
0xc5: {  	_ =	sfence.sel $0xFFFF  }
0xc6: {  	[dreg:$0x0] =	wrdreg $0xFFFFFFFF;
	(pc) =	sbr.abs _section_cstart, $3  }
0xc7: {  	[dreg:$0x1] =	wrdreg $0xFFFFFFFF  }
0xc8: {  	_ =	task.clear_ibuf [dreg:s7], $0x2FFFF;
	_ =	strace $0x9FFFFFFF  }
0xc9: {  	(tm) =	ssettm $0x7FFFFFFF  }
tec
execute0_lowered:
.L_overlay_start_1:
0x0: {  	(tag) =	ssettag $0x1  }
0x1: {  	s5 =	rddreg [dreg:$0x0]  }
0x2: {  	s7 =	rddreg [dreg:$0x1]  }
0x3: {  	s0 =	srdreg.scid;
	s2 =	rddreg [dreg:$0x2]  }
0x4: {  	s3 =	simm.s32 $0x0;
	s14 =	simm.s32 $0x80;
	s15 =	simm.s32 $0x5000  }
0x5: {  	s16 =	simm.s32 $0x1;
	s6 =	sand.u32 $0x1, s0;
	s0 =	stileid.u32  }
0x6: {  	s17 =	simm.s32 $0x0;
	[smem:$0x7FF] =	sst s3;
	s9 =	smul.u32 $0x2800, s0  }
0x7: {  	s1 =	sshll.u32 s6, $0x4;
	s10 =	smul.u32 $0x28000, s6;
	s6 =	ssub.s32 $0x2, s6  }
0x8: {  	s12 =	smul.u32 $0x50000, s0;
	s31 =	sshll.u32 s0, $0x6;
	s4 =	sor.u32 s0, s1  }
0x9: {  	s1 =	rddreg [dreg:$0x3];
	_ =	strace $0x80000050;
	s29 =	sshrl.u32 s6, $0x1  }
0xa: {  	s8 =	smul.u32 $0x500, s4;
	s4 =	sadd.s32 $0x2A800, s5;
	s13 =	sadd.s32 s9, s5  }
0xb: {  	s9 =	sadd.s32 s9, s10;
	s10 =	ssub.s32 s6, s29;
	s30 =	sshrl.u32 s12, $0x2  }
0xc: {  	s6 =	sor.u32 $0x1C02, s31;
	s9 =	sadd.s32 s9, s5;
	s12 =	sadd.s32 s30, s2  }
0xd: {  	s10 =	smax.u32 s10, $0x1;
	s11 =	sadd.s32 s8, s5;
	s5 =	sadd.s32 $0x2800, s13  }
0xe: {  	s7 =	sadd.s32 s7, s8;
	s9 =	sadd.s32 $0x84800, s9;
	s13 =	simm.s32 $0x2800  }
0xf: {  	s8 =	sadd.s32 $0x7A800, s11;
	s11 =	sshrl.u32 s12, $0x3;
	s12 =	simm.s32 $0x2  }
.LBB2_1:
0x10: {  	[spmem:s11], [sflag:s6] =	dma.local [hbm:s5], $0x2800  }
0x11: {  	_ =	swait.ge [sflag:s12], $0x2800  }
0x12: {  	[sflag:s12] =	ssyncset.done $0x0  }
0x13: {  	[sflag:s12] =	ssyncadd.s32 $0xFFFFD800  }
0x14: {  	[tilespmem:s3], [sflag:$0x2] =	stream.linear.gather [hbm4b:s7+s3], $0x2780, $0x38;
	[tilespmem:$0x1D000] =	vst v63  }
0x15: {  	_ =	swait.ge [sflag:s12], $0x2780  }
0x16: {  	[sflag:s12] =	ssyncset.done $0x0  }
0x17: {  	[sflag:s12] =	ssyncadd.s32 $0xFFFFD880  }
0x18: {  	[tilespmem:s13], [sflag:$0x2] =	stream.linear.gather [hbm4b:s8+s3], $0x2780, $0x38;
	[tilespmem:$0x1D000] =	vst v63  }
0x19: {  	_ =	swait.ge [sflag:s12], $0x2780  }
0x1a: {  	[sflag:s12] =	ssyncset.done $0x0  }
0x1b: {  	[sflag:s12] =	ssyncadd.s32 $0xFFFFD880  }
0x1c: {  	s18 =	simm.s32 $0x0;
	[bflag:$0x0] =	sbarrier.arrive $0xFFFF  }
0x1d: {  	[tilespmem:s15], [sflag:$0x1] =	stream.indirect.gather [hbm4b:s4+s14], $0x80, s18, s14, $0xb8;
	[tilespmem:$0x1D000] =	vst v63  }
0x1e: {  	_ =	swait.ge [sflag:s16], $0x4000  }
0x1f: {  	[sflag:s16] =	ssyncset.done $0x0  }
0x20: {  	s31 =	simm.s32 $0x2800;
	[sflag:s16] =	ssyncadd.s32 $0xFFFFC000  }
0x21: {  	[spmem:s2] =	stream.indirect.scatter.add.f32 [tilespmem:s15], [sflag:$0x2], $0x80, s31, s14, $0xb8;
	[tilespmem:$0x1D000] =	vst v63  }
0x22: {  	_ =	swait.ge [sflag:s12], $0x4000  }
0x23: {  	s19 =	simm.s32 $0x400;
	s18 =	simm.s32 $0x200;
	[sflag:s12] =	ssyncset.done $0x0  }
.LBB2_2:
0x24: {  	s20 =	sshra.s32 s18, $0x2  }
0x25: {  	[sflag:s12] =	ssyncadd.s32 $0xFFFFC000;
	s18 =	smov.u32 s19;
	s21 =	sadd.s32 $0x200, s19  }
0x26: {  	[tilespmem:s15], [sflag:$0x1] =	stream.indirect.gather [hbm4b:s4+s14], $0x80, s20, s14, $0xb8;
	[tilespmem:$0x1D000] =	vst v63  }
0x27: {  	p0 =	sne.s32 s19, $0x9C00;
	_ =	swait.ge [sflag:s16], $0x4000  }
.Ltmp0:
0x28: {  	[sflag:s16] =	ssyncset.done $0x0;
	(pc) =	sbr.rel @p0 .LBB2_2-.Ltmp0, $4  }
0x29: {  	s19 =	sadd.s32 $0x2800, s20;
	[sflag:s16] =	ssyncadd.s32 $0xFFFFC000  }
0x2a: {  	[spmem:s2] =	stream.indirect.scatter.add.f32 [tilespmem:s15], [sflag:$0x2], $0x80, s19, s14, $0xb8;
	[tilespmem:$0x1D000] =	vst v63  }
0x2b: {  	_ =	swait.ge [sflag:s12], $0x4000  }
0x2c: {  	s19 =	smov.u32 s21;
	[sflag:s12] =	ssyncset.done $0x0  }
0x2d: {  	s18 =	sshra.s32 s18, $0x2;
	[sflag:s12] =	ssyncadd.s32 $0xFFFFC000  }
0x2e: {  	[tilespmem:s15], [sflag:$0x1] =	stream.indirect.gather [hbm4b:s4+s14], $0x80, s18, s14, $0xb8;
	[tilespmem:$0x1D000] =	vst v63  }
0x2f: {  	_ =	swait.ge [sflag:s16], $0x4000  }
0x30: {  	[sflag:s16] =	ssyncset.done $0x0  }
0x31: {  	s18 =	sadd.s32 $0x2800, s18;
	[sflag:s16] =	ssyncadd.s32 $0xFFFFC000  }
0x32: {  	[spmem:s2] =	stream.indirect.scatter.add.f32 [tilespmem:s15], [sflag:$0x2], $0x80, s18, s14, $0xb8;
	[tilespmem:$0x1D000] =	vst v63  }
0x33: {  	_ =	swait.ge [sflag:s12], $0x4000  }
0x34: {  	s17 =	sadd.s32 $0x1, s17;
	[sflag:s12] =	ssyncset.done $0x0  }
0x35: {  	p0 =	sne.s32 s17, s10;
	[sflag:s12] =	ssyncadd.s32 $0xFFFFC000  }
.Ltmp1:
0x36: {  	[bflag:$0x0] =	sbarrier.arrive $0xFFFF;
	(pc) =	sbr.rel @p0 .LBB2_1-.Ltmp1, $4  }
0x37: {  	[hbm:s9], [sflag:s6] =	dma.local [spmem:s11], $0x2800  }
0x38: {  	_ =	swait.ge [sflag:s12], $0x2800  }
0x39: {  	[sflag:s12] =	ssyncset.done $0x0  }
0x3a: {  	[sflag:s12] =	ssyncadd.s32 $0xFFFFD800  }
0x3b: {  	_ =	sfence.sel $0x180000  }
0x3c: {  	[bflag:$0x0] =	sbarrier.arrive $0xFFFF  }
0x3d: {  	p0 =	sne.s32 s0, $0x0;
	_ =	strace $0x90000050  }
0x3e: {  	s0 =	sadd.s32 @!p0 $0x100000, s1;
	[bflag:$0x2] =	sbarrier.arrive $0xFFFF  }
0x3f: {  	[sflag:s0] =	ssyncadd.tile.s32 @!p0 $0x1;
	_ =	shalt  }
.Lfunc_end2:
_tile_overlayer_lowered:
.L_overlay_start_2:
0x40: {  	(tag) =	ssettag $0x2  }
0x41: {  	s0 =	rddreg [dreg:$0x0];
	s2 =	stileid.u32  }
0x42: {  	s1 =	rddreg [dreg:$0x1];
	p0 =	sne.s32 s2, $0x0  }
0x43: {  	s3 =	rddreg [dreg:$0x2];
	[bflag:$0x3] =	sbarrier.arrive $0xFFFF;
	s2 =	simm.s32 @!p0 $0x1C02  }
0x44: {  	[timem:s3], [sflag:s2] =	dma.local @!p0 [hbm:s0], s1  }
0x45: {  	s0 =	simm.s32 @!p0 $0x2  }
0x46: {  	_ =	swait.ge @!p0 [sflag:s0], s1  }
0x47: {  	s1 =	ssub.s32 @!p0 $0x0, s1;
	[sflag:s0] =	ssyncset.done @!p0 $0x0  }
0x48: {  	[sflag:s0] =	ssyncadd.s32 @!p0 s1  }
0x49: {  	[bflag:$0x3] =	sbarrier.arrive $0xFFFF  }
0x4a: {  	_ =	shalt  }

</sc_bundles>
